<compile_context>
chip_gen: v7x
topology: tpu7x:2x2x1
jax: 0.10.2.dev20260603
libtpu: 0.0.44.dev20260713+nightly
codegen_flags: <defaults>
</compile_context>

<pallas_src>
import functools

import jax
import jax.numpy as jnp
from jax import lax
from jax.experimental import pallas as pl
from jax.experimental.pallas import tpu as pltpu
from jax.experimental.pallas import tpu_sc as plsc

_B, _N, _D, _TOPK = 16, 2048, 2048, 8
_NEG = -3.0e38
_L = 16


def _logits_topk_body(m_ref, w_ref, idx_ref, wts_ref, logits_ref):
    b = pl.program_id(0)

    @pl.when(b < _B)
    def _():
        x = m_ref[0]
        w = w_ref[...]
        chunk = lax.dot_general(w, x, (((1,), (1,)), ((), ())),
                                preferred_element_type=jnp.float32)
        logits_ref[pl.ds(b, 1), :] = chunk

    @pl.when(b == _B)
    def _():
        l = logits_ref[...]
        m = jnp.max(l, axis=1, keepdims=True)
        denom = jnp.sum(jnp.exp(l - m), axis=1, keepdims=True)
        inv_denom = 1.0 / denom
        iota = lax.broadcasted_iota(jnp.int32, (_B, _N), 1)
        b_iota = lax.broadcasted_iota(jnp.int32, (_B, 1, 1), 0)
        k_iota_i = lax.broadcasted_iota(jnp.int32, (1, 1, _TOPK), 2)
        k_iota_w = lax.broadcasted_iota(jnp.int32, (1, _TOPK, _L), 1)
        ti = jnp.zeros((_B, 1, _TOPK), jnp.int32)
        tw = jnp.zeros((_B, _TOPK, _L), jnp.float32)
        lcur = l
        for k in range(_TOPK):
            v = jnp.max(lcur, axis=1, keepdims=True)
            idxv = jnp.min(jnp.where(lcur >= v, iota, _N),
                           axis=1, keepdims=True)
            wk = (jnp.exp(v - m) * inv_denom).reshape(_B, 1, 1)
            gi = idxv.reshape(_B, 1, 1) + b_iota * _N
            ti = jnp.where(k_iota_i == k, gi, ti)
            tw = jnp.where(k_iota_w == k, wk, tw)
            lcur = jnp.where(iota == idxv, _NEG, lcur)
        idx_ref[...] = ti
        wts_ref[...] = tw


@functools.cache
def _make_topk_call():
    return pl.pallas_call(
        _logits_topk_body,
        grid=(_B + 1,),
        in_specs=[
            pl.BlockSpec((1, _N, _D), lambda b: (jnp.minimum(b, _B - 1), 0, 0)),
            pl.BlockSpec((1, _D), lambda b: (0, 0)),
        ],
        out_specs=[
            pl.BlockSpec((_B, 1, _TOPK), lambda b: (0, 0, 0)),
            pl.BlockSpec((_B, _TOPK, _L), lambda b: (0, 0, 0)),
        ],
        out_shape=[
            jax.ShapeDtypeStruct((_B, 1, _TOPK), jnp.int32),
            jax.ShapeDtypeStruct((_B, _TOPK, _L), jnp.float32),
        ],
        scratch_shapes=[pltpu.VMEM((_B, _N), jnp.float32)],
        compiler_params=pltpu.CompilerParams(
            vmem_limit_bytes=100 * 1024 * 1024,
        ),
    )


def _gather_combine_body(table_hbm, idx_hbm, w_hbm, out_hbm,
                         idx_v, rows_v, w_v, out_v, sem):
    cid = lax.axis_index("c")
    sid = lax.axis_index("s")
    wid = sid * 2 + cid

    @pl.when(wid < _B)
    def _():
        pltpu.sync_copy(idx_hbm.at[pl.ds(wid * _TOPK, _TOPK)], idx_v)
        gather = pltpu.async_copy(table_hbm.at[idx_v], rows_v, sem)
        pltpu.sync_copy(w_hbm.at[wid], w_v)
        gather.wait()

        def body(cc, carry):
            off = pl.multiple_of(cc * _L, _L)
            acc = jnp.zeros((_L,), jnp.float32)
            for k in range(_TOPK):
                acc = acc + w_v[k] * rows_v[k, pl.ds(off, _L)]
            out_v[pl.ds(off, _L)] = acc
            return carry

        lax.fori_loop(0, _D // _L, body, 0, unroll=8)
        pltpu.sync_copy(out_v, out_hbm.at[wid])


@functools.cache
def _make_gather_combine():
    return functools.partial(
        pl.kernel,
        out_type=jax.ShapeDtypeStruct((_B, _D), jnp.float32),
        mesh=plsc.VectorSubcoreMesh(core_axis_name="c", subcore_axis_name="s"),
        scratch_types=[
            pltpu.VMEM((_TOPK,), jnp.int32),
            pltpu.VMEM((_TOPK, _D), jnp.float32),
            pltpu.VMEM((_TOPK, _L), jnp.float32),
            pltpu.VMEM((_D,), jnp.float32),
            pltpu.SemaphoreType.DMA,
        ],
    )(_gather_combine_body)


@jax.jit
def kernel(m_items_matrix, query, W_w, W_b):
    idx3, wts = _make_topk_call()(m_items_matrix, W_w)
    idx_flat = idx3.reshape(_B * _TOPK)
    table = m_items_matrix.reshape(_B * _N, _D)
    out = _make_gather_combine()(table, idx_flat, wts)
    return out.reshape(_B, 1, _D)

# --- scband reference (transcript-rebuilt; emitter-appended) ---
"""Pipeline reference for scband-gate-netwook-50912542327269 (READ-ONLY COPY).

The authoritative reference and input builder live on the scoring server;
editing this copy changes nothing except your own understanding.
"""

import jax, jax.numpy as jnp
import numpy as np

B, N, D, TOPK = 16, 2048, 2048, 8

def setup_inputs(seed: int = 0) -> dict:
    key = jax.random.key(seed)
    k1, k2, k3 = jax.random.split(key, 3)
    m_items_matrix = jax.random.normal(k1, (B, N, D), dtype=jnp.float32)
    query = jax.random.normal(k2, (B, D), dtype=jnp.float32)
    W_w = jax.random.normal(k3, (1, D), dtype=jnp.float32) * (1.0 / np.sqrt(D))
    W_b = jnp.zeros((1,), dtype=jnp.float32)
    return {"m_items_matrix": m_items_matrix, "query": query, "W_w": W_w, "W_b": W_b}

def reference(m_items_matrix, query, W_w, W_b):
    # self.W(m_items_matrix): Linear(fea_dim, 1) -> [B, N, 1]
    logits = jnp.einsum('bnd,od->bno', m_items_matrix, W_w) + W_b
    # softmax over dim=1 (memory slots)
    weight = jax.nn.softmax(logits, axis=1)  # [B, N, 1]
    # torch.topk(weight, topk, dim=1) -> values/indices [B, topk, 1]
    w = weight[..., 0]  # [B, N]
    top_vals, top_idx = jax.lax.top_k(w, TOPK)  # [B, topk]
    top_k_weights = top_vals[:, :, None]  # [B, topk, 1]
    # gather(dim=1, index=top_k_indices.expand(-1,-1,D)) -> [B, topk, D]
    indices_items = jnp.take_along_axis(m_items_matrix, top_idx[:, :, None], axis=1)
    # einsum('bkc,bki->bic', items, weights) -> [B, 1, D]
    elu = jnp.einsum('bkc,bki->bic', indices_items, top_k_weights)
    return elu

if __name__ == "__main__":
    import jax
    _d = setup_inputs()
    print(jax.jit(kernel)(*tuple(_d.values())))

</pallas_src>

<mosaic_0001>
#map = affine_map<(d0, d1) -> (0, 0)>
#map1 = affine_map<(d0, d1) -> (0)>
#map2 = affine_map<(d0, d1) -> (0, 0, 0)>
module attributes {stable_mosaic.version = 14 : i64} {
  func.func @_gather_combine_body(%arg0: i32, %arg1: i32, %arg2: memref<32768x2048xf32, #tpu.memory_space<hbm>>, %arg3: memref<128xi32, #tpu.memory_space<hbm>>, %arg4: memref<16x8x16xf32, #tpu.memory_space<hbm>>, %arg5: memref<16x2048xf32, #tpu.memory_space<hbm>>, %arg6: memref<8xi32, #tpu.memory_space<vmem>>, %arg7: memref<8x2048xf32, #tpu.memory_space<vmem>>, %arg8: memref<8x16xf32, #tpu.memory_space<vmem>>, %arg9: memref<2048xf32, #tpu.memory_space<vmem>>, %arg10: memref<!tpu.dma_semaphore, #tpu.memory_space<semaphore_mem>>) attributes {dimension_semantics = [#tpu.dimension_semantics<core_parallel>, #tpu.dimension_semantics<subcore_parallel>], iteration_bounds = array<i64: 2, 16>, scalar_prefetch = 0 : i64, scratch_operands = 5 : i64, tpu.core_type = #tpu.core_type<sc_vector_subcore>, window_params = [{transform_indices = #map}, {transform_indices = #map1}, {transform_indices = #map2}, {transform_indices = #map}]} {
    %mul3A = arith.constant 2 : i32
    %mul3A_0 = arith.muli %arg1, %mul3A : i32
    %add3A = arith.addi %mul3A_0, %arg0 : i32
    %lt3A = arith.constant 16 : i32
    %lt3A_1 = arith.cmpi slt, %add3A, %lt3A : i32
    %convert_element_type3A = arith.extui %lt3A_1 : i1 to i32
    %cond3A = arith.constant 0 : i32
    %cond3A_2 = arith.cmpi ne, %convert_element_type3A, %cond3A : i32
    scf.if %cond3A_2 {
      %mul3A_3 = arith.constant 8 : i32
      %mul3A_4 = arith.muli %add3A, %mul3A_3 : i32
      "tpu.region"() ({
        %run_scoped3A = tpu.sem_alloc : memref<!tpu.dma_semaphore, #tpu.memory_space<semaphore_mem>>
        %dma_start3A_14 = tpu.memref_slice %arg3[%mul3A_4] : memref<128xi32, #tpu.memory_space<hbm>> -> memref<8xi32, #tpu.memory_space<hbm>>
        %dma_start3A_15 = tpu.memref_slice %arg3[%mul3A_4] : memref<128xi32, #tpu.memory_space<hbm>> -> memref<8xi32, #tpu.memory_space<hbm>>
        tpu.enqueue_dma source(%dma_start3A_15 : memref<8xi32, #tpu.memory_space<hbm>>) target(%arg6 : memref<8xi32, #tpu.memory_space<vmem>>) target_semaphore(%run_scoped3A : memref<!tpu.dma_semaphore, #tpu.memory_space<semaphore_mem>>)
        %dma_wait3A_16 = tpu.memref_slice %arg3[%mul3A_4] : memref<128xi32, #tpu.memory_space<hbm>> -> memref<8xi32, #tpu.memory_space<hbm>>
        %dma_wait3A_17 = tpu.memref_slice %arg3[%mul3A_4] : memref<128xi32, #tpu.memory_space<hbm>> -> memref<8xi32, #tpu.memory_space<hbm>>
        tpu.wait_dma2 semaphore(%run_scoped3A : memref<!tpu.dma_semaphore, #tpu.memory_space<semaphore_mem>>) src(%dma_wait3A_17 : memref<8xi32, #tpu.memory_space<hbm>>) dst(%arg6 : memref<8xi32, #tpu.memory_space<vmem>>)
        tpu.yield
      }) : () -> ()
      %dma_start3A = arith.constant 0 : i32
      %dma_start3A_5 = arith.constant 0 : i32
      %dma_start3A_6 = tpu.memref_slice %arg2[%dma_start3A, %dma_start3A_5] : memref<32768x2048xf32, #tpu.memory_space<hbm>> -> memref<32768x2048xf32, #tpu.memory_space<hbm>>
      tpu.enqueue_indirect_dma source(%dma_start3A_6 : memref<32768x2048xf32, #tpu.memory_space<hbm>>) target(%arg7 : memref<8x2048xf32, #tpu.memory_space<vmem>>) offsets(%arg6 : memref<8xi32, #tpu.memory_space<vmem>>) semaphore(%arg10 : memref<!tpu.dma_semaphore, #tpu.memory_space<semaphore_mem>>)
      "tpu.region"() ({
        %run_scoped3A = tpu.sem_alloc : memref<!tpu.dma_semaphore, #tpu.memory_space<semaphore_mem>>
        %dma_start3A_14 = arith.constant 0 : i32
        %dma_start3A_15 = arith.constant 0 : i32
        %dma_start3A_16 = tpu.memref_slice %arg4[%add3A, %dma_start3A_14, %dma_start3A_15] : memref<16x8x16xf32, #tpu.memory_space<hbm>> -> memref<1x8x16xf32, #tpu.memory_space<hbm>>
        %dma_start3A_17 = tpu.memref_squeeze %dma_start3A_16 : memref<1x8x16xf32, #tpu.memory_space<hbm>> -> memref<8x16xf32, #tpu.memory_space<hbm>>
        %dma_start3A_18 = arith.constant 0 : i32
        %dma_start3A_19 = arith.constant 0 : i32
        %dma_start3A_20 = tpu.memref_slice %arg4[%add3A, %dma_start3A_18, %dma_start3A_19] : memref<16x8x16xf32, #tpu.memory_space<hbm>> -> memref<1x8x16xf32, #tpu.memory_space<hbm>>
        %dma_start3A_21 = tpu.memref_squeeze %dma_start3A_20 : memref<1x8x16xf32, #tpu.memory_space<hbm>> -> memref<8x16xf32, #tpu.memory_space<hbm>>
        tpu.enqueue_dma source(%dma_start3A_21 : memref<8x16xf32, #tpu.memory_space<hbm>>) target(%arg8 : memref<8x16xf32, #tpu.memory_space<vmem>>) target_semaphore(%run_scoped3A : memref<!tpu.dma_semaphore, #tpu.memory_space<semaphore_mem>>)
        %dma_wait3A_22 = arith.constant 0 : i32
        %dma_wait3A_23 = arith.constant 0 : i32
        %dma_wait3A_24 = tpu.memref_slice %arg4[%add3A, %dma_wait3A_22, %dma_wait3A_23] : memref<16x8x16xf32, #tpu.memory_space<hbm>> -> memref<1x8x16xf32, #tpu.memory_space<hbm>>
        %dma_wait3A_25 = tpu.memref_squeeze %dma_wait3A_24 : memref<1x8x16xf32, #tpu.memory_space<hbm>> -> memref<8x16xf32, #tpu.memory_space<hbm>>
        %dma_wait3A_26 = arith.constant 0 : i32
        %dma_wait3A_27 = arith.constant 0 : i32
        %dma_wait3A_28 = tpu.memref_slice %arg4[%add3A, %dma_wait3A_26, %dma_wait3A_27] : memref<16x8x16xf32, #tpu.memory_space<hbm>> -> memref<1x8x16xf32, #tpu.memory_space<hbm>>
        %dma_wait3A_29 = tpu.memref_squeeze %dma_wait3A_28 : memref<1x8x16xf32, #tpu.memory_space<hbm>> -> memref<8x16xf32, #tpu.memory_space<hbm>>
        tpu.wait_dma2 semaphore(%run_scoped3A : memref<!tpu.dma_semaphore, #tpu.memory_space<semaphore_mem>>) src(%dma_wait3A_29 : memref<8x16xf32, #tpu.memory_space<hbm>>) dst(%arg8 : memref<8x16xf32, #tpu.memory_space<vmem>>)
        tpu.yield
      }) : () -> ()
      %dma_wait3A = arith.constant 0 : i32
      %dma_wait3A_7 = arith.constant 0 : i32
      %dma_wait3A_8 = tpu.memref_slice %arg2[%dma_wait3A, %dma_wait3A_7] : memref<32768x2048xf32, #tpu.memory_space<hbm>> -> memref<32768x2048xf32, #tpu.memory_space<hbm>>
      tpu.wait_indirect_dma semaphore(%arg10 : memref<!tpu.dma_semaphore, #tpu.memory_space<semaphore_mem>>) src(%dma_wait3A_8 : memref<32768x2048xf32, #tpu.memory_space<hbm>>) dst(%arg7 : memref<8x2048xf32, #tpu.memory_space<vmem>>)
      %scan3A = arith.constant 0 : i32
      %scan3A_9 = arith.constant 0 : i32
      %scan3A_10 = arith.constant 128 : i32
      %scan3A_11 = arith.addi %scan3A_9, %scan3A_10 : i32
      %scan3A_12 = arith.constant 8 : i32
      scf.for %scan3A_14 = %scan3A_9 to %scan3A_11 step %scan3A_12  : i32 {
        %mul3A_15 = arith.constant 16 : i32
        %mul3A_16 = arith.muli %scan3A_14, %mul3A_15 : i32
        %multiple_of3A = tpu.assume_multiple %mul3A_16, 16 : i32
        %broadcast_in_dim3A = arith.constant 0.000000e+00 : f32
        %broadcast_in_dim3A_17 = vector.broadcast %broadcast_in_dim3A : f32 to vector<16xf32>
        %get3A = arith.constant 0 : i32
        %get3A_18 = arith.index_cast %get3A : i32 to index
        %get3A_19 = arith.constant 0 : index
        %get3A_20 = tpu.vector_load %arg8[%get3A_18, %get3A_19] {strides = array<i32>} : memref<8x16xf32, #tpu.memory_space<vmem>>, vector<1x16xf32>,
        %get3A_21 = vector.shape_cast %get3A_20 : vector<1x16xf32> to vector<16xf32>
        %get3A_22 = arith.constant 0 : i32
        %get3A_23 = arith.index_cast %get3A_22 : i32 to index
        %get3A_24 = arith.index_cast %multiple_of3A : i32 to index
        %get3A_25 = tpu.vector_load %arg7[%get3A_23, %get3A_24] {strides = array<i32>} : memref<8x2048xf32, #tpu.memory_space<vmem>>, vector<1x16xf32>,
        %get3A_26 = vector.shape_cast %get3A_25 : vector<1x16xf32> to vector<16xf32>
        %mul3A_27 = arith.mulf %get3A_21, %get3A_26 : vector<16xf32>
        %add3A_28 = arith.addf %broadcast_in_dim3A_17, %mul3A_27 : vector<16xf32>
        %get3A_29 = arith.constant 1 : i32
        %get3A_30 = arith.index_cast %get3A_29 : i32 to index
        %get3A_31 = arith.constant 0 : index
        %get3A_32 = tpu.vector_load %arg8[%get3A_30, %get3A_31] {strides = array<i32>} : memref<8x16xf32, #tpu.memory_space<vmem>>, vector<1x16xf32>,
        %get3A_33 = vector.shape_cast %get3A_32 : vector<1x16xf32> to vector<16xf32>
        %get3A_34 = arith.constant 1 : i32
        %get3A_35 = arith.index_cast %get3A_34 : i32 to index
        %get3A_36 = arith.index_cast %multiple_of3A : i32 to index
        %get3A_37 = tpu.vector_load %arg7[%get3A_35, %get3A_36] {strides = array<i32>} : memref<8x2048xf32, #tpu.memory_space<vmem>>, vector<1x16xf32>,
        %get3A_38 = vector.shape_cast %get3A_37 : vector<1x16xf32> to vector<16xf32>
        %mul3A_39 = arith.mulf %get3A_33, %get3A_38 : vector<16xf32>
        %add3A_40 = arith.addf %add3A_28, %mul3A_39 : vector<16xf32>
        %get3A_41 = arith.constant 2 : i32
        %get3A_42 = arith.index_cast %get3A_41 : i32 to index
        %get3A_43 = arith.constant 0 : index
        %get3A_44 = tpu.vector_load %arg8[%get3A_42, %get3A_43] {strides = array<i32>} : memref<8x16xf32, #tpu.memory_space<vmem>>, vector<1x16xf32>,
        %get3A_45 = vector.shape_cast %get3A_44 : vector<1x16xf32> to vector<16xf32>
        %get3A_46 = arith.constant 2 : i32
        %get3A_47 = arith.index_cast %get3A_46 : i32 to index
        %get3A_48 = arith.index_cast %multiple_of3A : i32 to index
        %get3A_49 = tpu.vector_load %arg7[%get3A_47, %get3A_48] {strides = array<i32>} : memref<8x2048xf32, #tpu.memory_space<vmem>>, vector<1x16xf32>,
        %get3A_50 = vector.shape_cast %get3A_49 : vector<1x16xf32> to vector<16xf32>
        %mul3A_51 = arith.mulf %get3A_45, %get3A_50 : vector<16xf32>
        %add3A_52 = arith.addf %add3A_40, %mul3A_51 : vector<16xf32>
        %get3A_53 = arith.constant 3 : i32
        %get3A_54 = arith.index_cast %get3A_53 : i32 to index
        %get3A_55 = arith.constant 0 : index
        %get3A_56 = tpu.vector_load %arg8[%get3A_54, %get3A_55] {strides = array<i32>} : memref<8x16xf32, #tpu.memory_space<vmem>>, vector<1x16xf32>,
        %get3A_57 = vector.shape_cast %get3A_56 : vector<1x16xf32> to vector<16xf32>
        %get3A_58 = arith.constant 3 : i32
        %get3A_59 = arith.index_cast %get3A_58 : i32 to index
        %get3A_60 = arith.index_cast %multiple_of3A : i32 to index
        %get3A_61 = tpu.vector_load %arg7[%get3A_59, %get3A_60] {strides = array<i32>} : memref<8x2048xf32, #tpu.memory_space<vmem>>, vector<1x16xf32>,
        %get3A_62 = vector.shape_cast %get3A_61 : vector<1x16xf32> to vector<16xf32>
        %mul3A_63 = arith.mulf %get3A_57, %get3A_62 : vector<16xf32>
        %add3A_64 = arith.addf %add3A_52, %mul3A_63 : vector<16xf32>
        %get3A_65 = arith.constant 4 : i32
        %get3A_66 = arith.index_cast %get3A_65 : i32 to index
        %get3A_67 = arith.constant 0 : index
        %get3A_68 = tpu.vector_load %arg8[%get3A_66, %get3A_67] {strides = array<i32>} : memref<8x16xf32, #tpu.memory_space<vmem>>, vector<1x16xf32>,
        %get3A_69 = vector.shape_cast %get3A_68 : vector<1x16xf32> to vector<16xf32>
        %get3A_70 = arith.constant 4 : i32
        %get3A_71 = arith.index_cast %get3A_70 : i32 to index
        %get3A_72 = arith.index_cast %multiple_of3A : i32 to index
        %get3A_73 = tpu.vector_load %arg7[%get3A_71, %get3A_72] {strides = array<i32>} : memref<8x2048xf32, #tpu.memory_space<vmem>>, vector<1x16xf32>,
        %get3A_74 = vector.shape_cast %get3A_73 : vector<1x16xf32> to vector<16xf32>
        %mul3A_75 = arith.mulf %get3A_69, %get3A_74 : vector<16xf32>
        %add3A_76 = arith.addf %add3A_64, %mul3A_75 : vector<16xf32>
        %get3A_77 = arith.constant 5 : i32
        %get3A_78 = arith.index_cast %get3A_77 : i32 to index
        %get3A_79 = arith.constant 0 : index
        %get3A_80 = tpu.vector_load %arg8[%get3A_78, %get3A_79] {strides = array<i32>} : memref<8x16xf32, #tpu.memory_space<vmem>>, vector<1x16xf32>,
        %get3A_81 = vector.shape_cast %get3A_80 : vector<1x16xf32> to vector<16xf32>
        %get3A_82 = arith.constant 5 : i32
        %get3A_83 = arith.index_cast %get3A_82 : i32 to index
        %get3A_84 = arith.index_cast %multiple_of3A : i32 to index
        %get3A_85 = tpu.vector_load %arg7[%get3A_83, %get3A_84] {strides = array<i32>} : memref<8x2048xf32, #tpu.memory_space<vmem>>, vector<1x16xf32>,
        %get3A_86 = vector.shape_cast %get3A_85 : vector<1x16xf32> to vector<16xf32>
        %mul3A_87 = arith.mulf %get3A_81, %get3A_86 : vector<16xf32>
        %add3A_88 = arith.addf %add3A_76, %mul3A_87 : vector<16xf32>
        %get3A_89 = arith.constant 6 : i32
        %get3A_90 = arith.index_cast %get3A_89 : i32 to index
        %get3A_91 = arith.constant 0 : index
        %get3A_92 = tpu.vector_load %arg8[%get3A_90, %get3A_91] {strides = array<i32>} : memref<8x16xf32, #tpu.memory_space<vmem>>, vector<1x16xf32>,
        %get3A_93 = vector.shape_cast %get3A_92 : vector<1x16xf32> to vector<16xf32>
        %get3A_94 = arith.constant 6 : i32
        %get3A_95 = arith.index_cast %get3A_94 : i32 to index
        %get3A_96 = arith.index_cast %multiple_of3A : i32 to index
        %get3A_97 = tpu.vector_load %arg7[%get3A_95, %get3A_96] {strides = array<i32>} : memref<8x2048xf32, #tpu.memory_space<vmem>>, vector<1x16xf32>,
        %get3A_98 = vector.shape_cast %get3A_97 : vector<1x16xf32> to vector<16xf32>
        %mul3A_99 = arith.mulf %get3A_93, %get3A_98 : vector<16xf32>
        %add3A_100 = arith.addf %add3A_88, %mul3A_99 : vector<16xf32>
        %get3A_101 = arith.constant 7 : i32
        %get3A_102 = arith.index_cast %get3A_101 : i32 to index
        %get3A_103 = arith.constant 0 : index
        %get3A_104 = tpu.vector_load %arg8[%get3A_102, %get3A_103] {strides = array<i32>} : memref<8x16xf32, #tpu.memory_space<vmem>>, vector<1x16xf32>,
        %get3A_105 = vector.shape_cast %get3A_104 : vector<1x16xf32> to vector<16xf32>
        %get3A_106 = arith.constant 7 : i32
        %get3A_107 = arith.index_cast %get3A_106 : i32 to index
        %get3A_108 = arith.index_cast %multiple_of3A : i32 to index
        %get3A_109 = tpu.vector_load %arg7[%get3A_107, %get3A_108] {strides = array<i32>} : memref<8x2048xf32, #tpu.memory_space<vmem>>, vector<1x16xf32>,
        %get3A_110 = vector.shape_cast %get3A_109 : vector<1x16xf32> to vector<16xf32>
        %mul3A_111 = arith.mulf %get3A_105, %get3A_110 : vector<16xf32>
        %add3A_112 = arith.addf %add3A_100, %mul3A_111 : vector<16xf32>
        %swap3A = arith.index_cast %multiple_of3A : i32 to index
        %swap3A_113 = tpu.vector_load %arg9[%swap3A] {strides = array<i32>} : memref<2048xf32, #tpu.memory_space<vmem>>, vector<16xf32>,
        %swap3A_114 = vector.shape_cast %swap3A_113 : vector<16xf32> to vector<16xf32>
        %swap3A_115 = vector.shape_cast %add3A_112 : vector<16xf32> to vector<16xf32>
        tpu.vector_store %arg9[%swap3A], %swap3A_115 {strides = array<i32>} : memref<2048xf32, #tpu.memory_space<vmem>>, vector<16xf32>,
        %scan3A_116 = arith.constant 1 : i32
        %scan3A_117 = arith.addi %scan3A_14, %scan3A_116 : i32
        %mul3A_118 = arith.constant 16 : i32
        %mul3A_119 = arith.muli %scan3A_117, %mul3A_118 : i32
        %multiple_of3A_120 = tpu.assume_multiple %mul3A_119, 16 : i32
        %broadcast_in_dim3A_121 = arith.constant 0.000000e+00 : f32
        %broadcast_in_dim3A_122 = vector.broadcast %broadcast_in_dim3A_121 : f32 to vector<16xf32>
        %get3A_123 = arith.constant 0 : i32
        %get3A_124 = arith.index_cast %get3A_123 : i32 to index
        %get3A_125 = arith.constant 0 : index
        %get3A_126 = tpu.vector_load %arg8[%get3A_124, %get3A_125] {strides = array<i32>} : memref<8x16xf32, #tpu.memory_space<vmem>>, vector<1x16xf32>,
        %get3A_127 = vector.shape_cast %get3A_126 : vector<1x16xf32> to vector<16xf32>
        %get3A_128 = arith.constant 0 : i32
        %get3A_129 = arith.index_cast %get3A_128 : i32 to index
        %get3A_130 = arith.index_cast %multiple_of3A_120 : i32 to index
        %get3A_131 = tpu.vector_load %arg7[%get3A_129, %get3A_130] {strides = array<i32>} : memref<8x2048xf32, #tpu.memory_space<vmem>>, vector<1x16xf32>,
        %get3A_132 = vector.shape_cast %get3A_131 : vector<1x16xf32> to vector<16xf32>
        %mul3A_133 = arith.mulf %get3A_127, %get3A_132 : vector<16xf32>
        %add3A_134 = arith.addf %broadcast_in_dim3A_122, %mul3A_133 : vector<16xf32>
        %get3A_135 = arith.constant 1 : i32
        %get3A_136 = arith.index_cast %get3A_135 : i32 to index
        %get3A_137 = arith.constant 0 : index
        %get3A_138 = tpu.vector_load %arg8[%get3A_136, %get3A_137] {strides = array<i32>} : memref<8x16xf32, #tpu.memory_space<vmem>>, vector<1x16xf32>,
        %get3A_139 = vector.shape_cast %get3A_138 : vector<1x16xf32> to vector<16xf32>
        %get3A_140 = arith.constant 1 : i32
        %get3A_141 = arith.index_cast %get3A_140 : i32 to index
        %get3A_142 = arith.index_cast %multiple_of3A_120 : i32 to index
        %get3A_143 = tpu.vector_load %arg7[%get3A_141, %get3A_142] {strides = array<i32>} : memref<8x2048xf32, #tpu.memory_space<vmem>>, vector<1x16xf32>,
        %get3A_144 = vector.shape_cast %get3A_143 : vector<1x16xf32> to vector<16xf32>
        %mul3A_145 = arith.mulf %get3A_139, %get3A_144 : vector<16xf32>
        %add3A_146 = arith.addf %add3A_134, %mul3A_145 : vector<16xf32>
        %get3A_147 = arith.constant 2 : i32
        %get3A_148 = arith.index_cast %get3A_147 : i32 to index
        %get3A_149 = arith.constant 0 : index
        %get3A_150 = tpu.vector_load %arg8[%get3A_148, %get3A_149] {strides = array<i32>} : memref<8x16xf32, #tpu.memory_space<vmem>>, vector<1x16xf32>,
        %get3A_151 = vector.shape_cast %get3A_150 : vector<1x16xf32> to vector<16xf32>
        %get3A_152 = arith.constant 2 : i32
        %get3A_153 = arith.index_cast %get3A_152 : i32 to index
        %get3A_154 = arith.index_cast %multiple_of3A_120 : i32 to index
        %get3A_155 = tpu.vector_load %arg7[%get3A_153, %get3A_154] {strides = array<i32>} : memref<8x2048xf32, #tpu.memory_space<vmem>>, vector<1x16xf32>,
        %get3A_156 = vector.shape_cast %get3A_155 : vector<1x16xf32> to vector<16xf32>
        %mul3A_157 = arith.mulf %get3A_151, %get3A_156 : vector<16xf32>
        %add3A_158 = arith.addf %add3A_146, %mul3A_157 : vector<16xf32>
        %get3A_159 = arith.constant 3 : i32
        %get3A_160 = arith.index_cast %get3A_159 : i32 to index
        %get3A_161 = arith.constant 0 : index
        %get3A_162 = tpu.vector_load %arg8[%get3A_160, %get3A_161] {strides = array<i32>} : memref<8x16xf32, #tpu.memory_space<vmem>>, vector<1x16xf32>,
        %get3A_163 = vector.shape_cast %get3A_162 : vector<1x16xf32> to vector<16xf32>
        %get3A_164 = arith.constant 3 : i32
        %get3A_165 = arith.index_cast %get3A_164 : i32 to index
        %get3A_166 = arith.index_cast %multiple_of3A_120 : i32 to index
        %get3A_167 = tpu.vector_load %arg7[%get3A_165, %get3A_166] {strides = array<i32>} : memref<8x2048xf32, #tpu.memory_space<vmem>>, vector<1x16xf32>,
        %get3A_168 = vector.shape_cast %get3A_167 : vector<1x16xf32> to vector<16xf32>
        %mul3A_169 = arith.mulf %get3A_163, %get3A_168 : vector<16xf32>
        %add3A_170 = arith.addf %add3A_158, %mul3A_169 : vector<16xf32>
        %get3A_171 = arith.constant 4 : i32
        %get3A_172 = arith.index_cast %get3A_171 : i32 to index
        %get3A_173 = arith.constant 0 : index
        %get3A_174 = tpu.vector_load %arg8[%get3A_172, %get3A_173] {strides = array<i32>} : memref<8x16xf32, #tpu.memory_space<vmem>>, vector<1x16xf32>,
        %get3A_175 = vector.shape_cast %get3A_174 : vector<1x16xf32> to vector<16xf32>
        %get3A_176 = arith.constant 4 : i32
        %get3A_177 = arith.index_cast %get3A_176 : i32 to index
        %get3A_178 = arith.index_cast %multiple_of3A_120 : i32 to index
        %get3A_179 = tpu.vector_load %arg7[%get3A_177, %get3A_178] {strides = array<i32>} : memref<8x2048xf32, #tpu.memory_space<vmem>>, vector<1x16xf32>,
        %get3A_180 = vector.shape_cast %get3A_179 : vector<1x16xf32> to vector<16xf32>
        %mul3A_181 = arith.mulf %get3A_175, %get3A_180 : vector<16xf32>
        %add3A_182 = arith.addf %add3A_170, %mul3A_181 : vector<16xf32>
        %get3A_183 = arith.constant 5 : i32
        %get3A_184 = arith.index_cast %get3A_183 : i32 to index
        %get3A_185 = arith.constant 0 : index
        %get3A_186 = tpu.vector_load %arg8[%get3A_184, %get3A_185] {strides = array<i32>} : memref<8x16xf32, #tpu.memory_space<vmem>>, vector<1x16xf32>,
        %get3A_187 = vector.shape_cast %get3A_186 : vector<1x16xf32> to vector<16xf32>
        %get3A_188 = arith.constant 5 : i32
        %get3A_189 = arith.index_cast %get3A_188 : i32 to index
        %get3A_190 = arith.index_cast %multiple_of3A_120 : i32 to index
        %get3A_191 = tpu.vector_load %arg7[%get3A_189, %get3A_190] {strides = array<i32>} : memref<8x2048xf32, #tpu.memory_space<vmem>>, vector<1x16xf32>,
        %get3A_192 = vector.shape_cast %get3A_191 : vector<1x16xf32> to vector<16xf32>
        %mul3A_193 = arith.mulf %get3A_187, %get3A_192 : vector<16xf32>
        %add3A_194 = arith.addf %add3A_182, %mul3A_193 : vector<16xf32>
        %get3A_195 = arith.constant 6 : i32
        %get3A_196 = arith.index_cast %get3A_195 : i32 to index
        %get3A_197 = arith.constant 0 : index
        %get3A_198 = tpu.vector_load %arg8[%get3A_196, %get3A_197] {strides = array<i32>} : memref<8x16xf32, #tpu.memory_space<vmem>>, vector<1x16xf32>,
        %get3A_199 = vector.shape_cast %get3A_198 : vector<1x16xf32> to vector<16xf32>
        %get3A_200 = arith.constant 6 : i32
        %get3A_201 = arith.index_cast %get3A_200 : i32 to index
        %get3A_202 = arith.index_cast %multiple_of3A_120 : i32 to index
        %get3A_203 = tpu.vector_load %arg7[%get3A_201, %get3A_202] {strides = array<i32>} : memref<8x2048xf32, #tpu.memory_space<vmem>>, vector<1x16xf32>,
        %get3A_204 = vector.shape_cast %get3A_203 : vector<1x16xf32> to vector<16xf32>
        %mul3A_205 = arith.mulf %get3A_199, %get3A_204 : vector<16xf32>
        %add3A_206 = arith.addf %add3A_194, %mul3A_205 : vector<16xf32>
        %get3A_207 = arith.constant 7 : i32
        %get3A_208 = arith.index_cast %get3A_207 : i32 to index
        %get3A_209 = arith.constant 0 : index
        %get3A_210 = tpu.vector_load %arg8[%get3A_208, %get3A_209] {strides = array<i32>} : memref<8x16xf32, #tpu.memory_space<vmem>>, vector<1x16xf32>,
        %get3A_211 = vector.shape_cast %get3A_210 : vector<1x16xf32> to vector<16xf32>
        %get3A_212 = arith.constant 7 : i32
        %get3A_213 = arith.index_cast %get3A_212 : i32 to index
        %get3A_214 = arith.index_cast %multiple_of3A_120 : i32 to index
        %get3A_215 = tpu.vector_load %arg7[%get3A_213, %get3A_214] {strides = array<i32>} : memref<8x2048xf32, #tpu.memory_space<vmem>>, vector<1x16xf32>,
        %get3A_216 = vector.shape_cast %get3A_215 : vector<1x16xf32> to vector<16xf32>
        %mul3A_217 = arith.mulf %get3A_211, %get3A_216 : vector<16xf32>
        %add3A_218 = arith.addf %add3A_206, %mul3A_217 : vector<16xf32>
        %swap3A_219 = arith.index_cast %multiple_of3A_120 : i32 to index
        %swap3A_220 = tpu.vector_load %arg9[%swap3A_219] {strides = array<i32>} : memref<2048xf32, #tpu.memory_space<vmem>>, vector<16xf32>,
        %swap3A_221 = vector.shape_cast %swap3A_220 : vector<16xf32> to vector<16xf32>
        %swap3A_222 = vector.shape_cast %add3A_218 : vector<16xf32> to vector<16xf32>
        tpu.vector_store %arg9[%swap3A_219], %swap3A_222 {strides = array<i32>} : memref<2048xf32, #tpu.memory_space<vmem>>, vector<16xf32>,
        %scan3A_223 = arith.constant 2 : i32
        %scan3A_224 = arith.addi %scan3A_14, %scan3A_223 : i32
        %mul3A_225 = arith.constant 16 : i32
        %mul3A_226 = arith.muli %scan3A_224, %mul3A_225 : i32
        %multiple_of3A_227 = tpu.assume_multiple %mul3A_226, 16 : i32
        %broadcast_in_dim3A_228 = arith.constant 0.000000e+00 : f32
        %broadcast_in_dim3A_229 = vector.broadcast %broadcast_in_dim3A_228 : f32 to vector<16xf32>
        %get3A_230 = arith.constant 0 : i32
        %get3A_231 = arith.index_cast %get3A_230 : i32 to index
        %get3A_232 = arith.constant 0 : index
        %get3A_233 = tpu.vector_load %arg8[%get3A_231, %get3A_232] {strides = array<i32>} : memref<8x16xf32, #tpu.memory_space<vmem>>, vector<1x16xf32>,
        %get3A_234 = vector.shape_cast %get3A_233 : vector<1x16xf32> to vector<16xf32>
        %get3A_235 = arith.constant 0 : i32
        %get3A_236 = arith.index_cast %get3A_235 : i32 to index
        %get3A_237 = arith.index_cast %multiple_of3A_227 : i32 to index
        %get3A_238 = tpu.vector_load %arg7[%get3A_236, %get3A_237] {strides = array<i32>} : memref<8x2048xf32, #tpu.memory_space<vmem>>, vector<1x16xf32>,
        %get3A_239 = vector.shape_cast %get3A_238 : vector<1x16xf32> to vector<16xf32>
        %mul3A_240 = arith.mulf %get3A_234, %get3A_239 : vector<16xf32>
        %add3A_241 = arith.addf %broadcast_in_dim3A_229, %mul3A_240 : vector<16xf32>
        %get3A_242 = arith.constant 1 : i32
        %get3A_243 = arith.index_cast %get3A_242 : i32 to index
        %get3A_244 = arith.constant 0 : index
        %get3A_245 = tpu.vector_load %arg8[%get3A_243, %get3A_244] {strides = array<i32>} : memref<8x16xf32, #tpu.memory_space<vmem>>, vector<1x16xf32>,
        %get3A_246 = vector.shape_cast %get3A_245 : vector<1x16xf32> to vector<16xf32>
        %get3A_247 = arith.constant 1 : i32
        %get3A_248 = arith.index_cast %get3A_247 : i32 to index
        %get3A_249 = arith.index_cast %multiple_of3A_227 : i32 to index
        %get3A_250 = tpu.vector_load %arg7[%get3A_248, %get3A_249] {strides = array<i32>} : memref<8x2048xf32, #tpu.memory_space<vmem>>, vector<1x16xf32>,
        %get3A_251 = vector.shape_cast %get3A_250 : vector<1x16xf32> to vector<16xf32>
        %mul3A_252 = arith.mulf %get3A_246, %get3A_251 : vector<16xf32>
        %add3A_253 = arith.addf %add3A_241, %mul3A_252 : vector<16xf32>
        %get3A_254 = arith.constant 2 : i32
        %get3A_255 = arith.index_cast %get3A_254 : i32 to index
        %get3A_256 = arith.constant 0 : index
        %get3A_257 = tpu.vector_load %arg8[%get3A_255, %get3A_256] {strides = array<i32>} : memref<8x16xf32, #tpu.memory_space<vmem>>, vector<1x16xf32>,
        %get3A_258 = vector.shape_cast %get3A_257 : vector<1x16xf32> to vector<16xf32>
        %get3A_259 = arith.constant 2 : i32
        %get3A_260 = arith.index_cast %get3A_259 : i32 to index
        %get3A_261 = arith.index_cast %multiple_of3A_227 : i32 to index
        %get3A_262 = tpu.vector_load %arg7[%get3A_260, %get3A_261] {strides = array<i32>} : memref<8x2048xf32, #tpu.memory_space<vmem>>, vector<1x16xf32>,
        %get3A_263 = vector.shape_cast %get3A_262 : vector<1x16xf32> to vector<16xf32>
        %mul3A_264 = arith.mulf %get3A_258, %get3A_263 : vector<16xf32>
        %add3A_265 = arith.addf %add3A_253, %mul3A_264 : vector<16xf32>
        %get3A_266 = arith.constant 3 : i32
        %get3A_267 = arith.index_cast %get3A_266 : i32 to index
        %get3A_268 = arith.constant 0 : index
        %get3A_269 = tpu.vector_load %arg8[%get3A_267, %get3A_268] {strides = array<i32>} : memref<8x16xf32, #tpu.memory_space<vmem>>, vector<1x16xf32>,
        %get3A_270 = vector.shape_cast %get3A_269 : vector<1x16xf32> to vector<16xf32>
        %get3A_271 = arith.constant 3 : i32
        %get3A_272 = arith.index_cast %get3A_271 : i32 to index
        %get3A_273 = arith.index_cast %multiple_of3A_227 : i32 to index
        %get3A_274 = tpu.vector_load %arg7[%get3A_272, %get3A_273] {strides = array<i32>} : memref<8x2048xf32, #tpu.memory_space<vmem>>, vector<1x16xf32>,
        %get3A_275 = vector.shape_cast %get3A_274 : vector<1x16xf32> to vector<16xf32>
        %mul3A_276 = arith.mulf %get3A_270, %get3A_275 : vector<16xf32>
        %add3A_277 = arith.addf %add3A_265, %mul3A_276 : vector<16xf32>
        %get3A_278 = arith.constant 4 : i32
        %get3A_279 = arith.index_cast %get3A_278 : i32 to index
        %get3A_280 = arith.constant 0 : index
        %get3A_281 = tpu.vector_load %arg8[%get3A_279, %get3A_280] {strides = array<i32>} : memref<8x16xf32, #tpu.memory_space<vmem>>, vector<1x16xf32>,
        %get3A_282 = vector.shape_cast %get3A_281 : vector<1x16xf32> to vector<16xf32>
        %get3A_283 = arith.constant 4 : i32
        %get3A_284 = arith.index_cast %get3A_283 : i32 to index
        %get3A_285 = arith.index_cast %multiple_of3A_227 : i32 to index
        %get3A_286 = tpu.vector_load %arg7[%get3A_284, %get3A_285] {strides = array<i32>} : memref<8x2048xf32, #tpu.memory_space<vmem>>, vector<1x16xf32>,
        %get3A_287 = vector.shape_cast %get3A_286 : vector<1x16xf32> to vector<16xf32>
        %mul3A_288 = arith.mulf %get3A_282, %get3A_287 : vector<16xf32>
        %add3A_289 = arith.addf %add3A_277, %mul3A_288 : vector<16xf32>
        %get3A_290 = arith.constant 5 : i32
        %get3A_291 = arith.index_cast %get3A_290 : i32 to index
        %get3A_292 = arith.constant 0 : index
        %get3A_293 = tpu.vector_load %arg8[%get3A_291, %get3A_292] {strides = array<i32>} : memref<8x16xf32, #tpu.memory_space<vmem>>, vector<1x16xf32>,
        %get3A_294 = vector.shape_cast %get3A_293 : vector<1x16xf32> to vector<16xf32>
        %get3A_295 = arith.constant 5 : i32
        %get3A_296 = arith.index_cast %get3A_295 : i32 to index
        %get3A_297 = arith.index_cast %multiple_of3A_227 : i32 to index
        %get3A_298 = tpu.vector_load %arg7[%get3A_296, %get3A_297] {strides = array<i32>} : memref<8x2048xf32, #tpu.memory_space<vmem>>, vector<1x16xf32>,
        %get3A_299 = vector.shape_cast %get3A_298 : vector<1x16xf32> to vector<16xf32>
        %mul3A_300 = arith.mulf %get3A_294, %get3A_299 : vector<16xf32>
        %add3A_301 = arith.addf %add3A_289, %mul3A_300 : vector<16xf32>
        %get3A_302 = arith.constant 6 : i32
        %get3A_303 = arith.index_cast %get3A_302 : i32 to index
        %get3A_304 = arith.constant 0 : index
        %get3A_305 = tpu.vector_load %arg8[%get3A_303, %get3A_304] {strides = array<i32>} : memref<8x16xf32, #tpu.memory_space<vmem>>, vector<1x16xf32>,
        %get3A_306 = vector.shape_cast %get3A_305 : vector<1x16xf32> to vector<16xf32>
        %get3A_307 = arith.constant 6 : i32
        %get3A_308 = arith.index_cast %get3A_307 : i32 to index
        %get3A_309 = arith.index_cast %multiple_of3A_227 : i32 to index
        %get3A_310 = tpu.vector_load %arg7[%get3A_308, %get3A_309] {strides = array<i32>} : memref<8x2048xf32, #tpu.memory_space<vmem>>, vector<1x16xf32>,
        %get3A_311 = vector.shape_cast %get3A_310 : vector<1x16xf32> to vector<16xf32>
        %mul3A_312 = arith.mulf %get3A_306, %get3A_311 : vector<16xf32>
        %add3A_313 = arith.addf %add3A_301, %mul3A_312 : vector<16xf32>
        %get3A_314 = arith.constant 7 : i32
        %get3A_315 = arith.index_cast %get3A_314 : i32 to index
        %get3A_316 = arith.constant 0 : index
        %get3A_317 = tpu.vector_load %arg8[%get3A_315, %get3A_316] {strides = array<i32>} : memref<8x16xf32, #tpu.memory_space<vmem>>, vector<1x16xf32>,
        %get3A_318 = vector.shape_cast %get3A_317 : vector<1x16xf32> to vector<16xf32>
        %get3A_319 = arith.constant 7 : i32
        %get3A_320 = arith.index_cast %get3A_319 : i32 to index
        %get3A_321 = arith.index_cast %multiple_of3A_227 : i32 to index
        %get3A_322 = tpu.vector_load %arg7[%get3A_320, %get3A_321] {strides = array<i32>} : memref<8x2048xf32, #tpu.memory_space<vmem>>, vector<1x16xf32>,
        %get3A_323 = vector.shape_cast %get3A_322 : vector<1x16xf32> to vector<16xf32>
        %mul3A_324 = arith.mulf %get3A_318, %get3A_323 : vector<16xf32>
        %add3A_325 = arith.addf %add3A_313, %mul3A_324 : vector<16xf32>
        %swap3A_326 = arith.index_cast %multiple_of3A_227 : i32 to index
        %swap3A_327 = tpu.vector_load %arg9[%swap3A_326] {strides = array<i32>} : memref<2048xf32, #tpu.memory_space<vmem>>, vector<16xf32>,
        %swap3A_328 = vector.shape_cast %swap3A_327 : vector<16xf32> to vector<16xf32>
        %swap3A_329 = vector.shape_cast %add3A_325 : vector<16xf32> to vector<16xf32>
        tpu.vector_store %arg9[%swap3A_326], %swap3A_329 {strides = array<i32>} : memref<2048xf32, #tpu.memory_space<vmem>>, vector<16xf32>,
        %scan3A_330 = arith.constant 3 : i32
        %scan3A_331 = arith.addi %scan3A_14, %scan3A_330 : i32
        %mul3A_332 = arith.constant 16 : i32
        %mul3A_333 = arith.muli %scan3A_331, %mul3A_332 : i32
        %multiple_of3A_334 = tpu.assume_multiple %mul3A_333, 16 : i32
        %broadcast_in_dim3A_335 = arith.constant 0.000000e+00 : f32
        %broadcast_in_dim3A_336 = vector.broadcast %broadcast_in_dim3A_335 : f32 to vector<16xf32>
        %get3A_337 = arith.constant 0 : i32
        %get3A_338 = arith.index_cast %get3A_337 : i32 to index
        %get3A_339 = arith.constant 0 : index
        %get3A_340 = tpu.vector_load %arg8[%get3A_338, %get3A_339] {strides = array<i32>} : memref<8x16xf32, #tpu.memory_space<vmem>>, vector<1x16xf32>,
        %get3A_341 = vector.shape_cast %get3A_340 : vector<1x16xf32> to vector<16xf32>
        %get3A_342 = arith.constant 0 : i32
        %get3A_343 = arith.index_cast %get3A_342 : i32 to index
        %get3A_344 = arith.index_cast %multiple_of3A_334 : i32 to index
        %get3A_345 = tpu.vector_load %arg7[%get3A_343, %get3A_344] {strides = array<i32>} : memref<8x2048xf32, #tpu.memory_space<vmem>>, vector<1x16xf32>,
        %get3A_346 = vector.shape_cast %get3A_345 : vector<1x16xf32> to vector<16xf32>
        %mul3A_347 = arith.mulf %get3A_341, %get3A_346 : vector<16xf32>
        %add3A_348 = arith.addf %broadcast_in_dim3A_336, %mul3A_347 : vector<16xf32>
        %get3A_349 = arith.constant 1 : i32
        %get3A_350 = arith.index_cast %get3A_349 : i32 to index
        %get3A_351 = arith.constant 0 : index
        %get3A_352 = tpu.vector_load %arg8[%get3A_350, %get3A_351] {strides = array<i32>} : memref<8x16xf32, #tpu.memory_space<vmem>>, vector<1x16xf32>,
        %get3A_353 = vector.shape_cast %get3A_352 : vector<1x16xf32> to vector<16xf32>
        %get3A_354 = arith.constant 1 : i32
        %get3A_355 = arith.index_cast %get3A_354 : i32 to index
        %get3A_356 = arith.index_cast %multiple_of3A_334 : i32 to index
        %get3A_357 = tpu.vector_load %arg7[%get3A_355, %get3A_356] {strides = array<i32>} : memref<8x2048xf32, #tpu.memory_space<vmem>>, vector<1x16xf32>,
        %get3A_358 = vector.shape_cast %get3A_357 : vector<1x16xf32> to vector<16xf32>
        %mul3A_359 = arith.mulf %get3A_353, %get3A_358 : vector<16xf32>
        %add3A_360 = arith.addf %add3A_348, %mul3A_359 : vector<16xf32>
        %get3A_361 = arith.constant 2 : i32
        %get3A_362 = arith.index_cast %get3A_361 : i32 to index
        %get3A_363 = arith.constant 0 : index
        %get3A_364 = tpu.vector_load %arg8[%get3A_362, %get3A_363] {strides = array<i32>} : memref<8x16xf32, #tpu.memory_space<vmem>>, vector<1x16xf32>,
        %get3A_365 = vector.shape_cast %get3A_364 : vector<1x16xf32> to vector<16xf32>
        %get3A_366 = arith.constant 2 : i32
        %get3A_367 = arith.index_cast %get3A_366 : i32 to index
        %get3A_368 = arith.index_cast %multiple_of3A_334 : i32 to index
        %get3A_369 = tpu.vector_load %arg7[%get3A_367, %get3A_368] {strides = array<i32>} : memref<8x2048xf32, #tpu.memory_space<vmem>>, vector<1x16xf32>,
        %get3A_370 = vector.shape_cast %get3A_369 : vector<1x16xf32> to vector<16xf32>
        %mul3A_371 = arith.mulf %get3A_365, %get3A_370 : vector<16xf32>
        %add3A_372 = arith.addf %add3A_360, %mul3A_371 : vector<16xf32>
        %get3A_373 = arith.constant 3 : i32
        %get3A_374 = arith.index_cast %get3A_373 : i32 to index
        %get3A_375 = arith.constant 0 : index
        %get3A_376 = tpu.vector_load %arg8[%get3A_374, %get3A_375] {strides = array<i32>} : memref<8x16xf32, #tpu.memory_space<vmem>>, vector<1x16xf32>,
        %get3A_377 = vector.shape_cast %get3A_376 : vector<1x16xf32> to vector<16xf32>
        %get3A_378 = arith.constant 3 : i32
        %get3A_379 = arith.index_cast %get3A_378 : i32 to index
        %get3A_380 = arith.index_cast %multiple_of3A_334 : i32 to index
        %get3A_381 = tpu.vector_load %arg7[%get3A_379, %get3A_380] {strides = array<i32>} : memref<8x2048xf32, #tpu.memory_space<vmem>>, vector<1x16xf32>,
        %get3A_382 = vector.shape_cast %get3A_381 : vector<1x16xf32> to vector<16xf32>
        %mul3A_383 = arith.mulf %get3A_377, %get3A_382 : vector<16xf32>
        %add3A_384 = arith.addf %add3A_372, %mul3A_383 : vector<16xf32>
        %get3A_385 = arith.constant 4 : i32
        %get3A_386 = arith.index_cast %get3A_385 : i32 to index
        %get3A_387 = arith.constant 0 : index
        %get3A_388 = tpu.vector_load %arg8[%get3A_386, %get3A_387] {strides = array<i32>} : memref<8x16xf32, #tpu.memory_space<vmem>>, vector<1x16xf32>,
        %get3A_389 = vector.shape_cast %get3A_388 : vector<1x16xf32> to vector<16xf32>
        %get3A_390 = arith.constant 4 : i32
        %get3A_391 = arith.index_cast %get3A_390 : i32 to index
        %get3A_392 = arith.index_cast %multiple_of3A_334 : i32 to index
        %get3A_393 = tpu.vector_load %arg7[%get3A_391, %get3A_392] {strides = array<i32>} : memref<8x2048xf32, #tpu.memory_space<vmem>>, vector<1x16xf32>,
        %get3A_394 = vector.shape_cast %get3A_393 : vector<1x16xf32> to vector<16xf32>
        %mul3A_395 = arith.mulf %get3A_389, %get3A_394 : vector<16xf32>
        %add3A_396 = arith.addf %add3A_384, %mul3A_395 : vector<16xf32>
        %get3A_397 = arith.constant 5 : i32
        %get3A_398 = arith.index_cast %get3A_397 : i32 to index
        %get3A_399 = arith.constant 0 : index
        %get3A_400 = tpu.vector_load %arg8[%get3A_398, %get3A_399] {strides = array<i32>} : memref<8x16xf32, #tpu.memory_space<vmem>>, vector<1x16xf32>,
        %get3A_401 = vector.shape_cast %get3A_400 : vector<1x16xf32> to vector<16xf32>
        %get3A_402 = arith.constant 5 : i32
        %get3A_403 = arith.index_cast %get3A_402 : i32 to index
        %get3A_404 = arith.index_cast %multiple_of3A_334 : i32 to index
        %get3A_405 = tpu.vector_load %arg7[%get3A_403, %get3A_404] {strides = array<i32>} : memref<8x2048xf32, #tpu.memory_space<vmem>>, vector<1x16xf32>,
        %get3A_406 = vector.shape_cast %get3A_405 : vector<1x16xf32> to vector<16xf32>
        %mul3A_407 = arith.mulf %get3A_401, %get3A_406 : vector<16xf32>
        %add3A_408 = arith.addf %add3A_396, %mul3A_407 : vector<16xf32>
        %get3A_409 = arith.constant 6 : i32
        %get3A_410 = arith.index_cast %get3A_409 : i32 to index
        %get3A_411 = arith.constant 0 : index
        %get3A_412 = tpu.vector_load %arg8[%get3A_410, %get3A_411] {strides = array<i32>} : memref<8x16xf32, #tpu.memory_space<vmem>>, vector<1x16xf32>,
        %get3A_413 = vector.shape_cast %get3A_412 : vector<1x16xf32> to vector<16xf32>
        %get3A_414 = arith.constant 6 : i32
        %get3A_415 = arith.index_cast %get3A_414 : i32 to index
        %get3A_416 = arith.index_cast %multiple_of3A_334 : i32 to index
        %get3A_417 = tpu.vector_load %arg7[%get3A_415, %get3A_416] {strides = array<i32>} : memref<8x2048xf32, #tpu.memory_space<vmem>>, vector<1x16xf32>,
        %get3A_418 = vector.shape_cast %get3A_417 : vector<1x16xf32> to vector<16xf32>
        %mul3A_419 = arith.mulf %get3A_413, %get3A_418 : vector<16xf32>
        %add3A_420 = arith.addf %add3A_408, %mul3A_419 : vector<16xf32>
        %get3A_421 = arith.constant 7 : i32
        %get3A_422 = arith.index_cast %get3A_421 : i32 to index
        %get3A_423 = arith.constant 0 : index
        %get3A_424 = tpu.vector_load %arg8[%get3A_422, %get3A_423] {strides = array<i32>} : memref<8x16xf32, #tpu.memory_space<vmem>>, vector<1x16xf32>,
        %get3A_425 = vector.shape_cast %get3A_424 : vector<1x16xf32> to vector<16xf32>
        %get3A_426 = arith.constant 7 : i32
        %get3A_427 = arith.index_cast %get3A_426 : i32 to index
        %get3A_428 = arith.index_cast %multiple_of3A_334 : i32 to index
        %get3A_429 = tpu.vector_load %arg7[%get3A_427, %get3A_428] {strides = array<i32>} : memref<8x2048xf32, #tpu.memory_space<vmem>>, vector<1x16xf32>,
        %get3A_430 = vector.shape_cast %get3A_429 : vector<1x16xf32> to vector<16xf32>
        %mul3A_431 = arith.mulf %get3A_425, %get3A_430 : vector<16xf32>
        %add3A_432 = arith.addf %add3A_420, %mul3A_431 : vector<16xf32>
        %swap3A_433 = arith.index_cast %multiple_of3A_334 : i32 to index
        %swap3A_434 = tpu.vector_load %arg9[%swap3A_433] {strides = array<i32>} : memref<2048xf32, #tpu.memory_space<vmem>>, vector<16xf32>,
        %swap3A_435 = vector.shape_cast %swap3A_434 : vector<16xf32> to vector<16xf32>
        %swap3A_436 = vector.shape_cast %add3A_432 : vector<16xf32> to vector<16xf32>
        tpu.vector_store %arg9[%swap3A_433], %swap3A_436 {strides = array<i32>} : memref<2048xf32, #tpu.memory_space<vmem>>, vector<16xf32>,
        %scan3A_437 = arith.constant 4 : i32
        %scan3A_438 = arith.addi %scan3A_14, %scan3A_437 : i32
        %mul3A_439 = arith.constant 16 : i32
        %mul3A_440 = arith.muli %scan3A_438, %mul3A_439 : i32
        %multiple_of3A_441 = tpu.assume_multiple %mul3A_440, 16 : i32
        %broadcast_in_dim3A_442 = arith.constant 0.000000e+00 : f32
        %broadcast_in_dim3A_443 = vector.broadcast %broadcast_in_dim3A_442 : f32 to vector<16xf32>
        %get3A_444 = arith.constant 0 : i32
        %get3A_445 = arith.index_cast %get3A_444 : i32 to index
        %get3A_446 = arith.constant 0 : index
        %get3A_447 = tpu.vector_load %arg8[%get3A_445, %get3A_446] {strides = array<i32>} : memref<8x16xf32, #tpu.memory_space<vmem>>, vector<1x16xf32>,
        %get3A_448 = vector.shape_cast %get3A_447 : vector<1x16xf32> to vector<16xf32>
        %get3A_449 = arith.constant 0 : i32
        %get3A_450 = arith.index_cast %get3A_449 : i32 to index
        %get3A_451 = arith.index_cast %multiple_of3A_441 : i32 to index
        %get3A_452 = tpu.vector_load %arg7[%get3A_450, %get3A_451] {strides = array<i32>} : memref<8x2048xf32, #tpu.memory_space<vmem>>, vector<1x16xf32>,
        %get3A_453 = vector.shape_cast %get3A_452 : vector<1x16xf32> to vector<16xf32>
        %mul3A_454 = arith.mulf %get3A_448, %get3A_453 : vector<16xf32>
        %add3A_455 = arith.addf %broadcast_in_dim3A_443, %mul3A_454 : vector<16xf32>
        %get3A_456 = arith.constant 1 : i32
        %get3A_457 = arith.index_cast %get3A_456 : i32 to index
        %get3A_458 = arith.constant 0 : index
        %get3A_459 = tpu.vector_load %arg8[%get3A_457, %get3A_458] {strides = array<i32>} : memref<8x16xf32, #tpu.memory_space<vmem>>, vector<1x16xf32>,
        %get3A_460 = vector.shape_cast %get3A_459 : vector<1x16xf32> to vector<16xf32>
        %get3A_461 = arith.constant 1 : i32
        %get3A_462 = arith.index_cast %get3A_461 : i32 to index
        %get3A_463 = arith.index_cast %multiple_of3A_441 : i32 to index
        %get3A_464 = tpu.vector_load %arg7[%get3A_462, %get3A_463] {strides = array<i32>} : memref<8x2048xf32, #tpu.memory_space<vmem>>, vector<1x16xf32>,
        %get3A_465 = vector.shape_cast %get3A_464 : vector<1x16xf32> to vector<16xf32>
        %mul3A_466 = arith.mulf %get3A_460, %get3A_465 : vector<16xf32>
        %add3A_467 = arith.addf %add3A_455, %mul3A_466 : vector<16xf32>
        %get3A_468 = arith.constant 2 : i32
        %get3A_469 = arith.index_cast %get3A_468 : i32 to index
        %get3A_470 = arith.constant 0 : index
        %get3A_471 = tpu.vector_load %arg8[%get3A_469, %get3A_470] {strides = array<i32>} : memref<8x16xf32, #tpu.memory_space<vmem>>, vector<1x16xf32>,
        %get3A_472 = vector.shape_cast %get3A_471 : vector<1x16xf32> to vector<16xf32>
        %get3A_473 = arith.constant 2 : i32
        %get3A_474 = arith.index_cast %get3A_473 : i32 to index
        %get3A_475 = arith.index_cast %multiple_of3A_441 : i32 to index
        %get3A_476 = tpu.vector_load %arg7[%get3A_474, %get3A_475] {strides = array<i32>} : memref<8x2048xf32, #tpu.memory_space<vmem>>, vector<1x16xf32>,
        %get3A_477 = vector.shape_cast %get3A_476 : vector<1x16xf32> to vector<16xf32>
        %mul3A_478 = arith.mulf %get3A_472, %get3A_477 : vector<16xf32>
        %add3A_479 = arith.addf %add3A_467, %mul3A_478 : vector<16xf32>
        %get3A_480 = arith.constant 3 : i32
        %get3A_481 = arith.index_cast %get3A_480 : i32 to index
        %get3A_482 = arith.constant 0 : index
        %get3A_483 = tpu.vector_load %arg8[%get3A_481, %get3A_482] {strides = array<i32>} : memref<8x16xf32, #tpu.memory_space<vmem>>, vector<1x16xf32>,
        %get3A_484 = vector.shape_cast %get3A_483 : vector<1x16xf32> to vector<16xf32>
        %get3A_485 = arith.constant 3 : i32
        %get3A_486 = arith.index_cast %get3A_485 : i32 to index
        %get3A_487 = arith.index_cast %multiple_of3A_441 : i32 to index
        %get3A_488 = tpu.vector_load %arg7[%get3A_486, %get3A_487] {strides = array<i32>} : memref<8x2048xf32, #tpu.memory_space<vmem>>, vector<1x16xf32>,
        %get3A_489 = vector.shape_cast %get3A_488 : vector<1x16xf32> to vector<16xf32>
        %mul3A_490 = arith.mulf %get3A_484, %get3A_489 : vector<16xf32>
        %add3A_491 = arith.addf %add3A_479, %mul3A_490 : vector<16xf32>
        %get3A_492 = arith.constant 4 : i32
        %get3A_493 = arith.index_cast %get3A_492 : i32 to index
        %get3A_494 = arith.constant 0 : index
        %get3A_495 = tpu.vector_load %arg8[%get3A_493, %get3A_494] {strides = array<i32>} : memref<8x16xf32, #tpu.memory_space<vmem>>, vector<1x16xf32>,
        %get3A_496 = vector.shape_cast %get3A_495 : vector<1x16xf32> to vector<16xf32>
        %get3A_497 = arith.constant 4 : i32
        %get3A_498 = arith.index_cast %get3A_497 : i32 to index
        %get3A_499 = arith.index_cast %multiple_of3A_441 : i32 to index
        %get3A_500 = tpu.vector_load %arg7[%get3A_498, %get3A_499] {strides = array<i32>} : memref<8x2048xf32, #tpu.memory_space<vmem>>, vector<1x16xf32>,
        %get3A_501 = vector.shape_cast %get3A_500 : vector<1x16xf32> to vector<16xf32>
        %mul3A_502 = arith.mulf %get3A_496, %get3A_501 : vector<16xf32>
        %add3A_503 = arith.addf %add3A_491, %mul3A_502 : vector<16xf32>
        %get3A_504 = arith.constant 5 : i32
        %get3A_505 = arith.index_cast %get3A_504 : i32 to index
        %get3A_506 = arith.constant 0 : index
        %get3A_507 = tpu.vector_load %arg8[%get3A_505, %get3A_506] {strides = array<i32>} : memref<8x16xf32, #tpu.memory_space<vmem>>, vector<1x16xf32>,
        %get3A_508 = vector.shape_cast %get3A_507 : vector<1x16xf32> to vector<16xf32>
        %get3A_509 = arith.constant 5 : i32
        %get3A_510 = arith.index_cast %get3A_509 : i32 to index
        %get3A_511 = arith.index_cast %multiple_of3A_441 : i32 to index
        %get3A_512 = tpu.vector_load %arg7[%get3A_510, %get3A_511] {strides = array<i32>} : memref<8x2048xf32, #tpu.memory_space<vmem>>, vector<1x16xf32>,
        %get3A_513 = vector.shape_cast %get3A_512 : vector<1x16xf32> to vector<16xf32>
        %mul3A_514 = arith.mulf %get3A_508, %get3A_513 : vector<16xf32>
        %add3A_515 = arith.addf %add3A_503, %mul3A_514 : vector<16xf32>
        %get3A_516 = arith.constant 6 : i32
        %get3A_517 = arith.index_cast %get3A_516 : i32 to index
        %get3A_518 = arith.constant 0 : index
        %get3A_519 = tpu.vector_load %arg8[%get3A_517, %get3A_518] {strides = array<i32>} : memref<8x16xf32, #tpu.memory_space<vmem>>, vector<1x16xf32>,
        %get3A_520 = vector.shape_cast %get3A_519 : vector<1x16xf32> to vector<16xf32>
        %get3A_521 = arith.constant 6 : i32
        %get3A_522 = arith.index_cast %get3A_521 : i32 to index
        %get3A_523 = arith.index_cast %multiple_of3A_441 : i32 to index
        %get3A_524 = tpu.vector_load %arg7[%get3A_522, %get3A_523] {strides = array<i32>} : memref<8x2048xf32, #tpu.memory_space<vmem>>, vector<1x16xf32>,
        %get3A_525 = vector.shape_cast %get3A_524 : vector<1x16xf32> to vector<16xf32>
        %mul3A_526 = arith.mulf %get3A_520, %get3A_525 : vector<16xf32>
        %add3A_527 = arith.addf %add3A_515, %mul3A_526 : vector<16xf32>
        %get3A_528 = arith.constant 7 : i32
        %get3A_529 = arith.index_cast %get3A_528 : i32 to index
        %get3A_530 = arith.constant 0 : index
        %get3A_531 = tpu.vector_load %arg8[%get3A_529, %get3A_530] {strides = array<i32>} : memref<8x16xf32, #tpu.memory_space<vmem>>, vector<1x16xf32>,
        %get3A_532 = vector.shape_cast %get3A_531 : vector<1x16xf32> to vector<16xf32>
        %get3A_533 = arith.constant 7 : i32
        %get3A_534 = arith.index_cast %get3A_533 : i32 to index
        %get3A_535 = arith.index_cast %multiple_of3A_441 : i32 to index
        %get3A_536 = tpu.vector_load %arg7[%get3A_534, %get3A_535] {strides = array<i32>} : memref<8x2048xf32, #tpu.memory_space<vmem>>, vector<1x16xf32>,
        %get3A_537 = vector.shape_cast %get3A_536 : vector<1x16xf32> to vector<16xf32>
        %mul3A_538 = arith.mulf %get3A_532, %get3A_537 : vector<16xf32>
        %add3A_539 = arith.addf %add3A_527, %mul3A_538 : vector<16xf32>
        %swap3A_540 = arith.index_cast %multiple_of3A_441 : i32 to index
        %swap3A_541 = tpu.vector_load %arg9[%swap3A_540] {strides = array<i32>} : memref<2048xf32, #tpu.memory_space<vmem>>, vector<16xf32>,
        %swap3A_542 = vector.shape_cast %swap3A_541 : vector<16xf32> to vector<16xf32>
        %swap3A_543 = vector.shape_cast %add3A_539 : vector<16xf32> to vector<16xf32>
        tpu.vector_store %arg9[%swap3A_540], %swap3A_543 {strides = array<i32>} : memref<2048xf32, #tpu.memory_space<vmem>>, vector<16xf32>,
        %scan3A_544 = arith.constant 5 : i32
        %scan3A_545 = arith.addi %scan3A_14, %scan3A_544 : i32
        %mul3A_546 = arith.constant 16 : i32
        %mul3A_547 = arith.muli %scan3A_545, %mul3A_546 : i32
        %multiple_of3A_548 = tpu.assume_multiple %mul3A_547, 16 : i32
        %broadcast_in_dim3A_549 = arith.constant 0.000000e+00 : f32
        %broadcast_in_dim3A_550 = vector.broadcast %broadcast_in_dim3A_549 : f32 to vector<16xf32>
        %get3A_551 = arith.constant 0 : i32
        %get3A_552 = arith.index_cast %get3A_551 : i32 to index
        %get3A_553 = arith.constant 0 : index
        %get3A_554 = tpu.vector_load %arg8[%get3A_552, %get3A_553] {strides = array<i32>} : memref<8x16xf32, #tpu.memory_space<vmem>>, vector<1x16xf32>,
        %get3A_555 = vector.shape_cast %get3A_554 : vector<1x16xf32> to vector<16xf32>
        %get3A_556 = arith.constant 0 : i32
        %get3A_557 = arith.index_cast %get3A_556 : i32 to index
        %get3A_558 = arith.index_cast %multiple_of3A_548 : i32 to index
        %get3A_559 = tpu.vector_load %arg7[%get3A_557, %get3A_558] {strides = array<i32>} : memref<8x2048xf32, #tpu.memory_space<vmem>>, vector<1x16xf32>,
        %get3A_560 = vector.shape_cast %get3A_559 : vector<1x16xf32> to vector<16xf32>
        %mul3A_561 = arith.mulf %get3A_555, %get3A_560 : vector<16xf32>
        %add3A_562 = arith.addf %broadcast_in_dim3A_550, %mul3A_561 : vector<16xf32>
        %get3A_563 = arith.constant 1 : i32
        %get3A_564 = arith.index_cast %get3A_563 : i32 to index
        %get3A_565 = arith.constant 0 : index
        %get3A_566 = tpu.vector_load %arg8[%get3A_564, %get3A_565] {strides = array<i32>} : memref<8x16xf32, #tpu.memory_space<vmem>>, vector<1x16xf32>,
        %get3A_567 = vector.shape_cast %get3A_566 : vector<1x16xf32> to vector<16xf32>
        %get3A_568 = arith.constant 1 : i32
        %get3A_569 = arith.index_cast %get3A_568 : i32 to index
        %get3A_570 = arith.index_cast %multiple_of3A_548 : i32 to index
        %get3A_571 = tpu.vector_load %arg7[%get3A_569, %get3A_570] {strides = array<i32>} : memref<8x2048xf32, #tpu.memory_space<vmem>>, vector<1x16xf32>,
        %get3A_572 = vector.shape_cast %get3A_571 : vector<1x16xf32> to vector<16xf32>
        %mul3A_573 = arith.mulf %get3A_567, %get3A_572 : vector<16xf32>
        %add3A_574 = arith.addf %add3A_562, %mul3A_573 : vector<16xf32>
        %get3A_575 = arith.constant 2 : i32
        %get3A_576 = arith.index_cast %get3A_575 : i32 to index
        %get3A_577 = arith.constant 0 : index
        %get3A_578 = tpu.vector_load %arg8[%get3A_576, %get3A_577] {strides = array<i32>} : memref<8x16xf32, #tpu.memory_space<vmem>>, vector<1x16xf32>,
        %get3A_579 = vector.shape_cast %get3A_578 : vector<1x16xf32> to vector<16xf32>
        %get3A_580 = arith.constant 2 : i32
        %get3A_581 = arith.index_cast %get3A_580 : i32 to index
        %get3A_582 = arith.index_cast %multiple_of3A_548 : i32 to index
        %get3A_583 = tpu.vector_load %arg7[%get3A_581, %get3A_582] {strides = array<i32>} : memref<8x2048xf32, #tpu.memory_space<vmem>>, vector<1x16xf32>,
        %get3A_584 = vector.shape_cast %get3A_583 : vector<1x16xf32> to vector<16xf32>
        %mul3A_585 = arith.mulf %get3A_579, %get3A_584 : vector<16xf32>
        %add3A_586 = arith.addf %add3A_574, %mul3A_585 : vector<16xf32>
        %get3A_587 = arith.constant 3 : i32
        %get3A_588 = arith.index_cast %get3A_587 : i32 to index
        %get3A_589 = arith.constant 0 : index
        %get3A_590 = tpu.vector_load %arg8[%get3A_588, %get3A_589] {strides = array<i32>} : memref<8x16xf32, #tpu.memory_space<vmem>>, vector<1x16xf32>,
        %get3A_591 = vector.shape_cast %get3A_590 : vector<1x16xf32> to vector<16xf32>
        %get3A_592 = arith.constant 3 : i32
        %get3A_593 = arith.index_cast %get3A_592 : i32 to index
        %get3A_594 = arith.index_cast %multiple_of3A_548 : i32 to index
        %get3A_595 = tpu.vector_load %arg7[%get3A_593, %get3A_594] {strides = array<i32>} : memref<8x2048xf32, #tpu.memory_space<vmem>>, vector<1x16xf32>,
        %get3A_596 = vector.shape_cast %get3A_595 : vector<1x16xf32> to vector<16xf32>
        %mul3A_597 = arith.mulf %get3A_591, %get3A_596 : vector<16xf32>
        %add3A_598 = arith.addf %add3A_586, %mul3A_597 : vector<16xf32>
        %get3A_599 = arith.constant 4 : i32
        %get3A_600 = arith.index_cast %get3A_599 : i32 to index
        %get3A_601 = arith.constant 0 : index
        %get3A_602 = tpu.vector_load %arg8[%get3A_600, %get3A_601] {strides = array<i32>} : memref<8x16xf32, #tpu.memory_space<vmem>>, vector<1x16xf32>,
        %get3A_603 = vector.shape_cast %get3A_602 : vector<1x16xf32> to vector<16xf32>
        %get3A_604 = arith.constant 4 : i32
        %get3A_605 = arith.index_cast %get3A_604 : i32 to index
        %get3A_606 = arith.index_cast %multiple_of3A_548 : i32 to index
        %get3A_607 = tpu.vector_load %arg7[%get3A_605, %get3A_606] {strides = array<i32>} : memref<8x2048xf32, #tpu.memory_space<vmem>>, vector<1x16xf32>,
        %get3A_608 = vector.shape_cast %get3A_607 : vector<1x16xf32> to vector<16xf32>
        %mul3A_609 = arith.mulf %get3A_603, %get3A_608 : vector<16xf32>
        %add3A_610 = arith.addf %add3A_598, %mul3A_609 : vector<16xf32>
        %get3A_611 = arith.constant 5 : i32
        %get3A_612 = arith.index_cast %get3A_611 : i32 to index
        %get3A_613 = arith.constant 0 : index
        %get3A_614 = tpu.vector_load %arg8[%get3A_612, %get3A_613] {strides = array<i32>} : memref<8x16xf32, #tpu.memory_space<vmem>>, vector<1x16xf32>,
        %get3A_615 = vector.shape_cast %get3A_614 : vector<1x16xf32> to vector<16xf32>
        %get3A_616 = arith.constant 5 : i32
        %get3A_617 = arith.index_cast %get3A_616 : i32 to index
        %get3A_618 = arith.index_cast %multiple_of3A_548 : i32 to index
        %get3A_619 = tpu.vector_load %arg7[%get3A_617, %get3A_618] {strides = array<i32>} : memref<8x2048xf32, #tpu.memory_space<vmem>>, vector<1x16xf32>,
        %get3A_620 = vector.shape_cast %get3A_619 : vector<1x16xf32> to vector<16xf32>
        %mul3A_621 = arith.mulf %get3A_615, %get3A_620 : vector<16xf32>
        %add3A_622 = arith.addf %add3A_610, %mul3A_621 : vector<16xf32>
        %get3A_623 = arith.constant 6 : i32
        %get3A_624 = arith.index_cast %get3A_623 : i32 to index
        %get3A_625 = arith.constant 0 : index
        %get3A_626 = tpu.vector_load %arg8[%get3A_624, %get3A_625] {strides = array<i32>} : memref<8x16xf32, #tpu.memory_space<vmem>>, vector<1x16xf32>,
        %get3A_627 = vector.shape_cast %get3A_626 : vector<1x16xf32> to vector<16xf32>
        %get3A_628 = arith.constant 6 : i32
        %get3A_629 = arith.index_cast %get3A_628 : i32 to index
        %get3A_630 = arith.index_cast %multiple_of3A_548 : i32 to index
        %get3A_631 = tpu.vector_load %arg7[%get3A_629, %get3A_630] {strides = array<i32>} : memref<8x2048xf32, #tpu.memory_space<vmem>>, vector<1x16xf32>,
        %get3A_632 = vector.shape_cast %get3A_631 : vector<1x16xf32> to vector<16xf32>
        %mul3A_633 = arith.mulf %get3A_627, %get3A_632 : vector<16xf32>
        %add3A_634 = arith.addf %add3A_622, %mul3A_633 : vector<16xf32>
        %get3A_635 = arith.constant 7 : i32
        %get3A_636 = arith.index_cast %get3A_635 : i32 to index
        %get3A_637 = arith.constant 0 : index
        %get3A_638 = tpu.vector_load %arg8[%get3A_636, %get3A_637] {strides = array<i32>} : memref<8x16xf32, #tpu.memory_space<vmem>>, vector<1x16xf32>,
        %get3A_639 = vector.shape_cast %get3A_638 : vector<1x16xf32> to vector<16xf32>
        %get3A_640 = arith.constant 7 : i32
        %get3A_641 = arith.index_cast %get3A_640 : i32 to index
        %get3A_642 = arith.index_cast %multiple_of3A_548 : i32 to index
        %get3A_643 = tpu.vector_load %arg7[%get3A_641, %get3A_642] {strides = array<i32>} : memref<8x2048xf32, #tpu.memory_space<vmem>>, vector<1x16xf32>,
        %get3A_644 = vector.shape_cast %get3A_643 : vector<1x16xf32> to vector<16xf32>
        %mul3A_645 = arith.mulf %get3A_639, %get3A_644 : vector<16xf32>
        %add3A_646 = arith.addf %add3A_634, %mul3A_645 : vector<16xf32>
        %swap3A_647 = arith.index_cast %multiple_of3A_548 : i32 to index
        %swap3A_648 = tpu.vector_load %arg9[%swap3A_647] {strides = array<i32>} : memref<2048xf32, #tpu.memory_space<vmem>>, vector<16xf32>,
        %swap3A_649 = vector.shape_cast %swap3A_648 : vector<16xf32> to vector<16xf32>
        %swap3A_650 = vector.shape_cast %add3A_646 : vector<16xf32> to vector<16xf32>
        tpu.vector_store %arg9[%swap3A_647], %swap3A_650 {strides = array<i32>} : memref<2048xf32, #tpu.memory_space<vmem>>, vector<16xf32>,
        %scan3A_651 = arith.constant 6 : i32
        %scan3A_652 = arith.addi %scan3A_14, %scan3A_651 : i32
        %mul3A_653 = arith.constant 16 : i32
        %mul3A_654 = arith.muli %scan3A_652, %mul3A_653 : i32
        %multiple_of3A_655 = tpu.assume_multiple %mul3A_654, 16 : i32
        %broadcast_in_dim3A_656 = arith.constant 0.000000e+00 : f32
        %broadcast_in_dim3A_657 = vector.broadcast %broadcast_in_dim3A_656 : f32 to vector<16xf32>
        %get3A_658 = arith.constant 0 : i32
        %get3A_659 = arith.index_cast %get3A_658 : i32 to index
        %get3A_660 = arith.constant 0 : index
        %get3A_661 = tpu.vector_load %arg8[%get3A_659, %get3A_660] {strides = array<i32>} : memref<8x16xf32, #tpu.memory_space<vmem>>, vector<1x16xf32>,
        %get3A_662 = vector.shape_cast %get3A_661 : vector<1x16xf32> to vector<16xf32>
        %get3A_663 = arith.constant 0 : i32
        %get3A_664 = arith.index_cast %get3A_663 : i32 to index
        %get3A_665 = arith.index_cast %multiple_of3A_655 : i32 to index
        %get3A_666 = tpu.vector_load %arg7[%get3A_664, %get3A_665] {strides = array<i32>} : memref<8x2048xf32, #tpu.memory_space<vmem>>, vector<1x16xf32>,
        %get3A_667 = vector.shape_cast %get3A_666 : vector<1x16xf32> to vector<16xf32>
        %mul3A_668 = arith.mulf %get3A_662, %get3A_667 : vector<16xf32>
        %add3A_669 = arith.addf %broadcast_in_dim3A_657, %mul3A_668 : vector<16xf32>
        %get3A_670 = arith.constant 1 : i32
        %get3A_671 = arith.index_cast %get3A_670 : i32 to index
        %get3A_672 = arith.constant 0 : index
        %get3A_673 = tpu.vector_load %arg8[%get3A_671, %get3A_672] {strides = array<i32>} : memref<8x16xf32, #tpu.memory_space<vmem>>, vector<1x16xf32>,
        %get3A_674 = vector.shape_cast %get3A_673 : vector<1x16xf32> to vector<16xf32>
        %get3A_675 = arith.constant 1 : i32
        %get3A_676 = arith.index_cast %get3A_675 : i32 to index
        %get3A_677 = arith.index_cast %multiple_of3A_655 : i32 to index
        %get3A_678 = tpu.vector_load %arg7[%get3A_676, %get3A_677] {strides = array<i32>} : memref<8x2048xf32, #tpu.memory_space<vmem>>, vector<1x16xf32>,
        %get3A_679 = vector.shape_cast %get3A_678 : vector<1x16xf32> to vector<16xf32>
        %mul3A_680 = arith.mulf %get3A_674, %get3A_679 : vector<16xf32>
        %add3A_681 = arith.addf %add3A_669, %mul3A_680 : vector<16xf32>
        %get3A_682 = arith.constant 2 : i32
        %get3A_683 = arith.index_cast %get3A_682 : i32 to index
        %get3A_684 = arith.constant 0 : index
        %get3A_685 = tpu.vector_load %arg8[%get3A_683, %get3A_684] {strides = array<i32>} : memref<8x16xf32, #tpu.memory_space<vmem>>, vector<1x16xf32>,
        %get3A_686 = vector.shape_cast %get3A_685 : vector<1x16xf32> to vector<16xf32>
        %get3A_687 = arith.constant 2 : i32
        %get3A_688 = arith.index_cast %get3A_687 : i32 to index
        %get3A_689 = arith.index_cast %multiple_of3A_655 : i32 to index
        %get3A_690 = tpu.vector_load %arg7[%get3A_688, %get3A_689] {strides = array<i32>} : memref<8x2048xf32, #tpu.memory_space<vmem>>, vector<1x16xf32>,
        %get3A_691 = vector.shape_cast %get3A_690 : vector<1x16xf32> to vector<16xf32>
        %mul3A_692 = arith.mulf %get3A_686, %get3A_691 : vector<16xf32>
        %add3A_693 = arith.addf %add3A_681, %mul3A_692 : vector<16xf32>
        %get3A_694 = arith.constant 3 : i32
        %get3A_695 = arith.index_cast %get3A_694 : i32 to index
        %get3A_696 = arith.constant 0 : index
        %get3A_697 = tpu.vector_load %arg8[%get3A_695, %get3A_696] {strides = array<i32>} : memref<8x16xf32, #tpu.memory_space<vmem>>, vector<1x16xf32>,
        %get3A_698 = vector.shape_cast %get3A_697 : vector<1x16xf32> to vector<16xf32>
        %get3A_699 = arith.constant 3 : i32
        %get3A_700 = arith.index_cast %get3A_699 : i32 to index
        %get3A_701 = arith.index_cast %multiple_of3A_655 : i32 to index
        %get3A_702 = tpu.vector_load %arg7[%get3A_700, %get3A_701] {strides = array<i32>} : memref<8x2048xf32, #tpu.memory_space<vmem>>, vector<1x16xf32>,
        %get3A_703 = vector.shape_cast %get3A_702 : vector<1x16xf32> to vector<16xf32>
        %mul3A_704 = arith.mulf %get3A_698, %get3A_703 : vector<16xf32>
        %add3A_705 = arith.addf %add3A_693, %mul3A_704 : vector<16xf32>
        %get3A_706 = arith.constant 4 : i32
        %get3A_707 = arith.index_cast %get3A_706 : i32 to index
        %get3A_708 = arith.constant 0 : index
        %get3A_709 = tpu.vector_load %arg8[%get3A_707, %get3A_708] {strides = array<i32>} : memref<8x16xf32, #tpu.memory_space<vmem>>, vector<1x16xf32>,
        %get3A_710 = vector.shape_cast %get3A_709 : vector<1x16xf32> to vector<16xf32>
        %get3A_711 = arith.constant 4 : i32
        %get3A_712 = arith.index_cast %get3A_711 : i32 to index
        %get3A_713 = arith.index_cast %multiple_of3A_655 : i32 to index
        %get3A_714 = tpu.vector_load %arg7[%get3A_712, %get3A_713] {strides = array<i32>} : memref<8x2048xf32, #tpu.memory_space<vmem>>, vector<1x16xf32>,
        %get3A_715 = vector.shape_cast %get3A_714 : vector<1x16xf32> to vector<16xf32>
        %mul3A_716 = arith.mulf %get3A_710, %get3A_715 : vector<16xf32>
        %add3A_717 = arith.addf %add3A_705, %mul3A_716 : vector<16xf32>
        %get3A_718 = arith.constant 5 : i32
        %get3A_719 = arith.index_cast %get3A_718 : i32 to index
        %get3A_720 = arith.constant 0 : index
        %get3A_721 = tpu.vector_load %arg8[%get3A_719, %get3A_720] {strides = array<i32>} : memref<8x16xf32, #tpu.memory_space<vmem>>, vector<1x16xf32>,
        %get3A_722 = vector.shape_cast %get3A_721 : vector<1x16xf32> to vector<16xf32>
        %get3A_723 = arith.constant 5 : i32
        %get3A_724 = arith.index_cast %get3A_723 : i32 to index
        %get3A_725 = arith.index_cast %multiple_of3A_655 : i32 to index
        %get3A_726 = tpu.vector_load %arg7[%get3A_724, %get3A_725] {strides = array<i32>} : memref<8x2048xf32, #tpu.memory_space<vmem>>, vector<1x16xf32>,
        %get3A_727 = vector.shape_cast %get3A_726 : vector<1x16xf32> to vector<16xf32>
        %mul3A_728 = arith.mulf %get3A_722, %get3A_727 : vector<16xf32>
        %add3A_729 = arith.addf %add3A_717, %mul3A_728 : vector<16xf32>
        %get3A_730 = arith.constant 6 : i32
        %get3A_731 = arith.index_cast %get3A_730 : i32 to index
        %get3A_732 = arith.constant 0 : index
        %get3A_733 = tpu.vector_load %arg8[%get3A_731, %get3A_732] {strides = array<i32>} : memref<8x16xf32, #tpu.memory_space<vmem>>, vector<1x16xf32>,
        %get3A_734 = vector.shape_cast %get3A_733 : vector<1x16xf32> to vector<16xf32>
        %get3A_735 = arith.constant 6 : i32
        %get3A_736 = arith.index_cast %get3A_735 : i32 to index
        %get3A_737 = arith.index_cast %multiple_of3A_655 : i32 to index
        %get3A_738 = tpu.vector_load %arg7[%get3A_736, %get3A_737] {strides = array<i32>} : memref<8x2048xf32, #tpu.memory_space<vmem>>, vector<1x16xf32>,
        %get3A_739 = vector.shape_cast %get3A_738 : vector<1x16xf32> to vector<16xf32>
        %mul3A_740 = arith.mulf %get3A_734, %get3A_739 : vector<16xf32>
        %add3A_741 = arith.addf %add3A_729, %mul3A_740 : vector<16xf32>
        %get3A_742 = arith.constant 7 : i32
        %get3A_743 = arith.index_cast %get3A_742 : i32 to index
        %get3A_744 = arith.constant 0 : index
        %get3A_745 = tpu.vector_load %arg8[%get3A_743, %get3A_744] {strides = array<i32>} : memref<8x16xf32, #tpu.memory_space<vmem>>, vector<1x16xf32>,
        %get3A_746 = vector.shape_cast %get3A_745 : vector<1x16xf32> to vector<16xf32>
        %get3A_747 = arith.constant 7 : i32
        %get3A_748 = arith.index_cast %get3A_747 : i32 to index
        %get3A_749 = arith.index_cast %multiple_of3A_655 : i32 to index
        %get3A_750 = tpu.vector_load %arg7[%get3A_748, %get3A_749] {strides = array<i32>} : memref<8x2048xf32, #tpu.memory_space<vmem>>, vector<1x16xf32>,
        %get3A_751 = vector.shape_cast %get3A_750 : vector<1x16xf32> to vector<16xf32>
        %mul3A_752 = arith.mulf %get3A_746, %get3A_751 : vector<16xf32>
        %add3A_753 = arith.addf %add3A_741, %mul3A_752 : vector<16xf32>
        %swap3A_754 = arith.index_cast %multiple_of3A_655 : i32 to index
        %swap3A_755 = tpu.vector_load %arg9[%swap3A_754] {strides = array<i32>} : memref<2048xf32, #tpu.memory_space<vmem>>, vector<16xf32>,
        %swap3A_756 = vector.shape_cast %swap3A_755 : vector<16xf32> to vector<16xf32>
        %swap3A_757 = vector.shape_cast %add3A_753 : vector<16xf32> to vector<16xf32>
        tpu.vector_store %arg9[%swap3A_754], %swap3A_757 {strides = array<i32>} : memref<2048xf32, #tpu.memory_space<vmem>>, vector<16xf32>,
        %scan3A_758 = arith.constant 7 : i32
        %scan3A_759 = arith.addi %scan3A_14, %scan3A_758 : i32
        %mul3A_760 = arith.constant 16 : i32
        %mul3A_761 = arith.muli %scan3A_759, %mul3A_760 : i32
        %multiple_of3A_762 = tpu.assume_multiple %mul3A_761, 16 : i32
        %broadcast_in_dim3A_763 = arith.constant 0.000000e+00 : f32
        %broadcast_in_dim3A_764 = vector.broadcast %broadcast_in_dim3A_763 : f32 to vector<16xf32>
        %get3A_765 = arith.constant 0 : i32
        %get3A_766 = arith.index_cast %get3A_765 : i32 to index
        %get3A_767 = arith.constant 0 : index
        %get3A_768 = tpu.vector_load %arg8[%get3A_766, %get3A_767] {strides = array<i32>} : memref<8x16xf32, #tpu.memory_space<vmem>>, vector<1x16xf32>,
        %get3A_769 = vector.shape_cast %get3A_768 : vector<1x16xf32> to vector<16xf32>
        %get3A_770 = arith.constant 0 : i32
        %get3A_771 = arith.index_cast %get3A_770 : i32 to index
        %get3A_772 = arith.index_cast %multiple_of3A_762 : i32 to index
        %get3A_773 = tpu.vector_load %arg7[%get3A_771, %get3A_772] {strides = array<i32>} : memref<8x2048xf32, #tpu.memory_space<vmem>>, vector<1x16xf32>,
        %get3A_774 = vector.shape_cast %get3A_773 : vector<1x16xf32> to vector<16xf32>
        %mul3A_775 = arith.mulf %get3A_769, %get3A_774 : vector<16xf32>
        %add3A_776 = arith.addf %broadcast_in_dim3A_764, %mul3A_775 : vector<16xf32>
        %get3A_777 = arith.constant 1 : i32
        %get3A_778 = arith.index_cast %get3A_777 : i32 to index
        %get3A_779 = arith.constant 0 : index
        %get3A_780 = tpu.vector_load %arg8[%get3A_778, %get3A_779] {strides = array<i32>} : memref<8x16xf32, #tpu.memory_space<vmem>>, vector<1x16xf32>,
        %get3A_781 = vector.shape_cast %get3A_780 : vector<1x16xf32> to vector<16xf32>
        %get3A_782 = arith.constant 1 : i32
        %get3A_783 = arith.index_cast %get3A_782 : i32 to index
        %get3A_784 = arith.index_cast %multiple_of3A_762 : i32 to index
        %get3A_785 = tpu.vector_load %arg7[%get3A_783, %get3A_784] {strides = array<i32>} : memref<8x2048xf32, #tpu.memory_space<vmem>>, vector<1x16xf32>,
        %get3A_786 = vector.shape_cast %get3A_785 : vector<1x16xf32> to vector<16xf32>
        %mul3A_787 = arith.mulf %get3A_781, %get3A_786 : vector<16xf32>
        %add3A_788 = arith.addf %add3A_776, %mul3A_787 : vector<16xf32>
        %get3A_789 = arith.constant 2 : i32
        %get3A_790 = arith.index_cast %get3A_789 : i32 to index
        %get3A_791 = arith.constant 0 : index
        %get3A_792 = tpu.vector_load %arg8[%get3A_790, %get3A_791] {strides = array<i32>} : memref<8x16xf32, #tpu.memory_space<vmem>>, vector<1x16xf32>,
        %get3A_793 = vector.shape_cast %get3A_792 : vector<1x16xf32> to vector<16xf32>
        %get3A_794 = arith.constant 2 : i32
        %get3A_795 = arith.index_cast %get3A_794 : i32 to index
        %get3A_796 = arith.index_cast %multiple_of3A_762 : i32 to index
        %get3A_797 = tpu.vector_load %arg7[%get3A_795, %get3A_796] {strides = array<i32>} : memref<8x2048xf32, #tpu.memory_space<vmem>>, vector<1x16xf32>,
        %get3A_798 = vector.shape_cast %get3A_797 : vector<1x16xf32> to vector<16xf32>
        %mul3A_799 = arith.mulf %get3A_793, %get3A_798 : vector<16xf32>
        %add3A_800 = arith.addf %add3A_788, %mul3A_799 : vector<16xf32>
        %get3A_801 = arith.constant 3 : i32
        %get3A_802 = arith.index_cast %get3A_801 : i32 to index
        %get3A_803 = arith.constant 0 : index
        %get3A_804 = tpu.vector_load %arg8[%get3A_802, %get3A_803] {strides = array<i32>} : memref<8x16xf32, #tpu.memory_space<vmem>>, vector<1x16xf32>,
        %get3A_805 = vector.shape_cast %get3A_804 : vector<1x16xf32> to vector<16xf32>
        %get3A_806 = arith.constant 3 : i32
        %get3A_807 = arith.index_cast %get3A_806 : i32 to index
        %get3A_808 = arith.index_cast %multiple_of3A_762 : i32 to index
        %get3A_809 = tpu.vector_load %arg7[%get3A_807, %get3A_808] {strides = array<i32>} : memref<8x2048xf32, #tpu.memory_space<vmem>>, vector<1x16xf32>,
        %get3A_810 = vector.shape_cast %get3A_809 : vector<1x16xf32> to vector<16xf32>
        %mul3A_811 = arith.mulf %get3A_805, %get3A_810 : vector<16xf32>
        %add3A_812 = arith.addf %add3A_800, %mul3A_811 : vector<16xf32>
        %get3A_813 = arith.constant 4 : i32
        %get3A_814 = arith.index_cast %get3A_813 : i32 to index
        %get3A_815 = arith.constant 0 : index
        %get3A_816 = tpu.vector_load %arg8[%get3A_814, %get3A_815] {strides = array<i32>} : memref<8x16xf32, #tpu.memory_space<vmem>>, vector<1x16xf32>,
        %get3A_817 = vector.shape_cast %get3A_816 : vector<1x16xf32> to vector<16xf32>
        %get3A_818 = arith.constant 4 : i32
        %get3A_819 = arith.index_cast %get3A_818 : i32 to index
        %get3A_820 = arith.index_cast %multiple_of3A_762 : i32 to index
        %get3A_821 = tpu.vector_load %arg7[%get3A_819, %get3A_820] {strides = array<i32>} : memref<8x2048xf32, #tpu.memory_space<vmem>>, vector<1x16xf32>,
        %get3A_822 = vector.shape_cast %get3A_821 : vector<1x16xf32> to vector<16xf32>
        %mul3A_823 = arith.mulf %get3A_817, %get3A_822 : vector<16xf32>
        %add3A_824 = arith.addf %add3A_812, %mul3A_823 : vector<16xf32>
        %get3A_825 = arith.constant 5 : i32
        %get3A_826 = arith.index_cast %get3A_825 : i32 to index
        %get3A_827 = arith.constant 0 : index
        %get3A_828 = tpu.vector_load %arg8[%get3A_826, %get3A_827] {strides = array<i32>} : memref<8x16xf32, #tpu.memory_space<vmem>>, vector<1x16xf32>,
        %get3A_829 = vector.shape_cast %get3A_828 : vector<1x16xf32> to vector<16xf32>
        %get3A_830 = arith.constant 5 : i32
        %get3A_831 = arith.index_cast %get3A_830 : i32 to index
        %get3A_832 = arith.index_cast %multiple_of3A_762 : i32 to index
        %get3A_833 = tpu.vector_load %arg7[%get3A_831, %get3A_832] {strides = array<i32>} : memref<8x2048xf32, #tpu.memory_space<vmem>>, vector<1x16xf32>,
        %get3A_834 = vector.shape_cast %get3A_833 : vector<1x16xf32> to vector<16xf32>
        %mul3A_835 = arith.mulf %get3A_829, %get3A_834 : vector<16xf32>
        %add3A_836 = arith.addf %add3A_824, %mul3A_835 : vector<16xf32>
        %get3A_837 = arith.constant 6 : i32
        %get3A_838 = arith.index_cast %get3A_837 : i32 to index
        %get3A_839 = arith.constant 0 : index
        %get3A_840 = tpu.vector_load %arg8[%get3A_838, %get3A_839] {strides = array<i32>} : memref<8x16xf32, #tpu.memory_space<vmem>>, vector<1x16xf32>,
        %get3A_841 = vector.shape_cast %get3A_840 : vector<1x16xf32> to vector<16xf32>
        %get3A_842 = arith.constant 6 : i32
        %get3A_843 = arith.index_cast %get3A_842 : i32 to index
        %get3A_844 = arith.index_cast %multiple_of3A_762 : i32 to index
        %get3A_845 = tpu.vector_load %arg7[%get3A_843, %get3A_844] {strides = array<i32>} : memref<8x2048xf32, #tpu.memory_space<vmem>>, vector<1x16xf32>,
        %get3A_846 = vector.shape_cast %get3A_845 : vector<1x16xf32> to vector<16xf32>
        %mul3A_847 = arith.mulf %get3A_841, %get3A_846 : vector<16xf32>
        %add3A_848 = arith.addf %add3A_836, %mul3A_847 : vector<16xf32>
        %get3A_849 = arith.constant 7 : i32
        %get3A_850 = arith.index_cast %get3A_849 : i32 to index
        %get3A_851 = arith.constant 0 : index
        %get3A_852 = tpu.vector_load %arg8[%get3A_850, %get3A_851] {strides = array<i32>} : memref<8x16xf32, #tpu.memory_space<vmem>>, vector<1x16xf32>,
        %get3A_853 = vector.shape_cast %get3A_852 : vector<1x16xf32> to vector<16xf32>
        %get3A_854 = arith.constant 7 : i32
        %get3A_855 = arith.index_cast %get3A_854 : i32 to index
        %get3A_856 = arith.index_cast %multiple_of3A_762 : i32 to index
        %get3A_857 = tpu.vector_load %arg7[%get3A_855, %get3A_856] {strides = array<i32>} : memref<8x2048xf32, #tpu.memory_space<vmem>>, vector<1x16xf32>,
        %get3A_858 = vector.shape_cast %get3A_857 : vector<1x16xf32> to vector<16xf32>
        %mul3A_859 = arith.mulf %get3A_853, %get3A_858 : vector<16xf32>
        %add3A_860 = arith.addf %add3A_848, %mul3A_859 : vector<16xf32>
        %swap3A_861 = arith.index_cast %multiple_of3A_762 : i32 to index
        %swap3A_862 = tpu.vector_load %arg9[%swap3A_861] {strides = array<i32>} : memref<2048xf32, #tpu.memory_space<vmem>>, vector<16xf32>,
        %swap3A_863 = vector.shape_cast %swap3A_862 : vector<16xf32> to vector<16xf32>
        %swap3A_864 = vector.shape_cast %add3A_860 : vector<16xf32> to vector<16xf32>
        tpu.vector_store %arg9[%swap3A_861], %swap3A_864 {strides = array<i32>} : memref<2048xf32, #tpu.memory_space<vmem>>, vector<16xf32>,
      }
      %scan3A_13 = arith.constant 128 : i32
      "tpu.region"() ({
        %run_scoped3A = tpu.sem_alloc : memref<!tpu.dma_semaphore, #tpu.memory_space<semaphore_mem>>
        %dma_start3A_14 = arith.constant 0 : i32
        %dma_start3A_15 = tpu.memref_slice %arg5[%add3A, %dma_start3A_14] : memref<16x2048xf32, #tpu.memory_space<hbm>> -> memref<1x2048xf32, #tpu.memory_space<hbm>>
        %dma_start3A_16 = tpu.memref_squeeze %dma_start3A_15 : memref<1x2048xf32, #tpu.memory_space<hbm>> -> memref<2048xf32, #tpu.memory_space<hbm>>
        %dma_start3A_17 = arith.constant 0 : i32
        %dma_start3A_18 = tpu.memref_slice %arg5[%add3A, %dma_start3A_17] : memref<16x2048xf32, #tpu.memory_space<hbm>> -> memref<1x2048xf32, #tpu.memory_space<hbm>>
        %dma_start3A_19 = tpu.memref_squeeze %dma_start3A_18 : memref<1x2048xf32, #tpu.memory_space<hbm>> -> memref<2048xf32, #tpu.memory_space<hbm>>
        tpu.enqueue_dma source(%arg9 : memref<2048xf32, #tpu.memory_space<vmem>>) target(%dma_start3A_19 : memref<2048xf32, #tpu.memory_space<hbm>>) target_semaphore(%run_scoped3A : memref<!tpu.dma_semaphore, #tpu.memory_space<semaphore_mem>>)
        %dma_wait3A_20 = arith.constant 0 : i32
        %dma_wait3A_21 = tpu.memref_slice %arg5[%add3A, %dma_wait3A_20] : memref<16x2048xf32, #tpu.memory_space<hbm>> -> memref<1x2048xf32, #tpu.memory_space<hbm>>
        %dma_wait3A_22 = tpu.memref_squeeze %dma_wait3A_21 : memref<1x2048xf32, #tpu.memory_space<hbm>> -> memref<2048xf32, #tpu.memory_space<hbm>>
        %dma_wait3A_23 = arith.constant 0 : i32
        %dma_wait3A_24 = tpu.memref_slice %arg5[%add3A, %dma_wait3A_23] : memref<16x2048xf32, #tpu.memory_space<hbm>> -> memref<1x2048xf32, #tpu.memory_space<hbm>>
        %dma_wait3A_25 = tpu.memref_squeeze %dma_wait3A_24 : memref<1x2048xf32, #tpu.memory_space<hbm>> -> memref<2048xf32, #tpu.memory_space<hbm>>
        tpu.wait_dma2 semaphore(%run_scoped3A : memref<!tpu.dma_semaphore, #tpu.memory_space<semaphore_mem>>) src(%arg9 : memref<2048xf32, #tpu.memory_space<vmem>>) dst(%dma_wait3A_25 : memref<2048xf32, #tpu.memory_space<hbm>>)
        tpu.yield
      }) : () -> ()
    } else {
    }
    return
  }
}

module attributes {stable_mosaic.version = 14 : i64} {
  func.func @_logits_topk_body(%arg0: i32, %arg1: memref<1x2048x2048xf32, #tpu.memory_space<vmem>>, %arg2: memref<1x2048xf32, #tpu.memory_space<vmem>>, %arg3: memref<16x1x8xi32, #tpu.memory_space<vmem>>, %arg4: memref<16x8x16xf32, #tpu.memory_space<vmem>>, %arg5: memref<16x2048xf32, #tpu.memory_space<vmem>>) attributes {dimension_semantics = [#tpu.dimension_semantics<arbitrary>], iteration_bounds = array<i64: 17>, scalar_prefetch = 0 : i64, scratch_operands = 1 : i64, tpu.core_type = #tpu.core_type<tc>, window_params = [{transform_indices = @transform_0, window_bounds = array<i64: 1, 2048, 2048>}, {pipeline_mode = #tpu.pipeline_mode<synchronous>, transform_indices = @transform_1, window_bounds = array<i64: 1, 2048>}, {pipeline_mode = #tpu.pipeline_mode<synchronous>, transform_indices = @transform_2, window_bounds = array<i64: 16, 1, 8>}, {pipeline_mode = #tpu.pipeline_mode<synchronous>, transform_indices = @transform_3, window_bounds = array<i64: 16, 8, 16>}]} {
    %lt3A = arith.constant 16 : i32
    %lt3A_0 = arith.cmpi slt, %arg0, %lt3A : i32
    %convert_element_type3A = arith.extui %lt3A_0 : i1 to i32
    %cond3A = arith.constant 0 : i32
    %cond3A_1 = arith.cmpi ne, %convert_element_type3A, %cond3A : i32
    scf.if %cond3A_1 {
      %get3A = arith.constant 0 : index
      %get3A_6 = arith.constant 0 : index
      %get3A_7 = arith.constant 0 : index
      %get3A_8 = vector.load %arg1[%get3A, %get3A_6, %get3A_7] : memref<1x2048x2048xf32, #tpu.memory_space<vmem>>, vector<1x2048x2048xf32>
      %get3A_9 = vector.shape_cast %get3A_8 : vector<1x2048x2048xf32> to vector<2048x2048xf32>
      %get3A_10 = arith.constant 0 : index
      %get3A_11 = arith.constant 0 : index
      %get3A_12 = vector.load %arg2[%get3A_10, %get3A_11] : memref<1x2048xf32, #tpu.memory_space<vmem>>, vector<1x2048xf32>
      %dot_general3A = arith.constant dense<0.000000e+00> : vector<1x2048xf32>
      %dot_general3A_13 = tpu.matmul %get3A_12, %get3A_9, %dot_general3A {dimension_numbers = #tpu.dot_dimension_numbers<[1], [1], [0], [0], [0, 0, 1, 0], [], []>, transpose_lhs_hint = false} : vector<1x2048xf32>, vector<2048x2048xf32>, vector<1x2048xf32> -> vector<1x2048xf32>
      %swap3A = arith.index_cast %arg0 : i32 to index
      %swap3A_14 = arith.constant 0 : index
      %swap3A_15 = vector.load %arg5[%swap3A, %swap3A_14] : memref<16x2048xf32, #tpu.memory_space<vmem>>, vector<1x2048xf32>
      tpu.vector_store %arg5[%swap3A, %swap3A_14], %dot_general3A_13 {strides = array<i32>} : memref<16x2048xf32, #tpu.memory_space<vmem>>, vector<1x2048xf32>,
    } else {
    }
    %eq3A = arith.constant 16 : i32
    %eq3A_2 = arith.cmpi eq, %arg0, %eq3A : i32
    %convert_element_type3A_3 = arith.extui %eq3A_2 : i1 to i32
    %cond3A_4 = arith.constant 0 : i32
    %cond3A_5 = arith.cmpi ne, %convert_element_type3A_3, %cond3A_4 : i32
    scf.if %cond3A_5 {
      %get3A = arith.constant 0 : index
      %get3A_6 = arith.constant 0 : index
      %get3A_7 = vector.load %arg5[%get3A, %get3A_6] : memref<16x2048xf32, #tpu.memory_space<vmem>>, vector<16x2048xf32>
      %reduce_max3A = arith.constant dense<0xFF800000> : vector<16xf32>
      %reduce_max3A_8 = vector.multi_reduction <maximumf>, %get3A_7, %reduce_max3A [1] : vector<16x2048xf32> to vector<16xf32>
      %broadcast_in_dim3A = vector.shape_cast %reduce_max3A_8 : vector<16xf32> to vector<16x1xf32>
      %sub3A = vector.broadcast %broadcast_in_dim3A : vector<16x1xf32> to vector<16x2048xf32>
      %sub3A_9 = arith.subf %get3A_7, %sub3A : vector<16x2048xf32>
      %exp3A = math.exp %sub3A_9 : vector<16x2048xf32>
      %reduce_sum3A = arith.constant dense<0.000000e+00> : vector<16xf32>
      %reduce_sum3A_10 = vector.multi_reduction <add>, %exp3A, %reduce_sum3A [1] : vector<16x2048xf32> to vector<16xf32>
      %broadcast_in_dim3A_11 = vector.shape_cast %reduce_sum3A_10 : vector<16xf32> to vector<16x1xf32>
      %div3A = arith.constant 1.000000e+00 : f32
      %div3A_12 = vector.broadcast %div3A : f32 to vector<16x1xf32>
      %div3A_13 = arith.divf %div3A_12, %broadcast_in_dim3A_11 : vector<16x1xf32>
      %iota3A = tpu.iota {dimensions = array<i32: 1>} : vector<16x2048xi32>
      %iota3A_14 = tpu.iota {dimensions = array<i32: 0>} : vector<16x1x1xi32>
      %iota3A_15 = tpu.iota {dimensions = array<i32: 2>} : vector<1x1x8xi32>
      %iota3A_16 = tpu.iota {dimensions = array<i32: 1>} : vector<1x8x16xi32>
      %broadcast_in_dim3A_17 = arith.constant 0 : i32
      %broadcast_in_dim3A_18 = vector.broadcast %broadcast_in_dim3A_17 : i32 to vector<16x1x8xi32>
      %broadcast_in_dim3A_19 = arith.constant 0.000000e+00 : f32
      %broadcast_in_dim3A_20 = vector.broadcast %broadcast_in_dim3A_19 : f32 to vector<16x8x16xf32>
      %reduce_max3A_21 = arith.constant dense<0xFF800000> : vector<16xf32>
      %reduce_max3A_22 = vector.multi_reduction <maximumf>, %get3A_7, %reduce_max3A_21 [1] : vector<16x2048xf32> to vector<16xf32>
      %broadcast_in_dim3A_23 = vector.shape_cast %reduce_max3A_22 : vector<16xf32> to vector<16x1xf32>
      %ge3A = vector.broadcast %broadcast_in_dim3A_23 : vector<16x1xf32> to vector<16x2048xf32>
      %ge3A_24 = arith.cmpf oge, %get3A_7, %ge3A : vector<16x2048xf32>
      %jit3A = arith.constant 2048 : i32
      %broadcast_in_dim3A_25 = vector.broadcast %jit3A : i32 to vector<16x2048xi32>
      %select_n3A = arith.select %ge3A_24, %iota3A, %broadcast_in_dim3A_25 : vector<16x2048xi1>, vector<16x2048xi32>
      %reduce_min3A = arith.constant dense<2147483647> : vector<16xi32>
      %reduce_min3A_26 = vector.multi_reduction <minsi>, %select_n3A, %reduce_min3A [1] : vector<16x2048xi32> to vector<16xi32>
      %broadcast_in_dim3A_27 = vector.shape_cast %reduce_min3A_26 : vector<16xi32> to vector<16x1xi32>
      %sub3A_28 = arith.subf %broadcast_in_dim3A_23, %broadcast_in_dim3A : vector<16x1xf32>
      %exp3A_29 = math.exp %sub3A_28 : vector<16x1xf32>
      %mul3A = arith.mulf %exp3A_29, %div3A_13 : vector<16x1xf32>
      %reshape3A = vector.shape_cast %mul3A : vector<16x1xf32> to vector<16x1x1xf32>
      %reshape3A_30 = vector.shape_cast %broadcast_in_dim3A_27 : vector<16x1xi32> to vector<16x1x1xi32>
      %mul3A_31 = arith.constant 2048 : i32
      %mul3A_32 = vector.broadcast %mul3A_31 : i32 to vector<16x1x1xi32>
      %mul3A_33 = arith.muli %iota3A_14, %mul3A_32 : vector<16x1x1xi32>
      %add3A = arith.addi %reshape3A_30, %mul3A_33 : vector<16x1x1xi32>
      %eq3A_34 = arith.constant 0 : i32
      %eq3A_35 = vector.broadcast %eq3A_34 : i32 to vector<1x1x8xi32>
      %eq3A_36 = arith.cmpi eq, %iota3A_15, %eq3A_35 : vector<1x1x8xi32>
      %broadcast_in_dim3A_37 = vector.shape_cast %eq3A_36 : vector<1x1x8xi1> to vector<1x1x8xi1>
      %broadcast_in_dim3A_38 = vector.broadcast %broadcast_in_dim3A_37 : vector<1x1x8xi1> to vector<16x1x8xi1>
      %broadcast_in_dim3A_39 = vector.shape_cast %add3A : vector<16x1x1xi32> to vector<16x1x1xi32>
      %broadcast_in_dim3A_40 = vector.broadcast %broadcast_in_dim3A_39 : vector<16x1x1xi32> to vector<16x1x8xi32>
      %select_n3A_41 = arith.select %broadcast_in_dim3A_38, %broadcast_in_dim3A_40, %broadcast_in_dim3A_18 : vector<16x1x8xi1>, vector<16x1x8xi32>
      %eq3A_42 = arith.constant 0 : i32
      %eq3A_43 = vector.broadcast %eq3A_42 : i32 to vector<1x8x16xi32>
      %eq3A_44 = arith.cmpi eq, %iota3A_16, %eq3A_43 : vector<1x8x16xi32>
      %broadcast_in_dim3A_45 = vector.shape_cast %eq3A_44 : vector<1x8x16xi1> to vector<1x8x16xi1>
      %broadcast_in_dim3A_46 = vector.broadcast %broadcast_in_dim3A_45 : vector<1x8x16xi1> to vector<16x8x16xi1>
      %broadcast_in_dim3A_47 = vector.shape_cast %reshape3A : vector<16x1x1xf32> to vector<16x1x1xf32>
      %broadcast_in_dim3A_48 = vector.broadcast %broadcast_in_dim3A_47 : vector<16x1x1xf32> to vector<16x8x16xf32>
      %select_n3A_49 = arith.select %broadcast_in_dim3A_46, %broadcast_in_dim3A_48, %broadcast_in_dim3A_20 : vector<16x8x16xi1>, vector<16x8x16xf32>
      %eq3A_50 = vector.broadcast %broadcast_in_dim3A_27 : vector<16x1xi32> to vector<16x2048xi32>
      %eq3A_51 = arith.cmpi eq, %iota3A, %eq3A_50 : vector<16x2048xi32>
      %jit3A_52 = arith.constant -3.000000e+38 : f32
      %broadcast_in_dim3A_53 = vector.broadcast %jit3A_52 : f32 to vector<16x2048xf32>
      %select_n3A_54 = arith.select %eq3A_51, %broadcast_in_dim3A_53, %get3A_7 : vector<16x2048xi1>, vector<16x2048xf32>
      %reduce_max3A_55 = arith.constant dense<0xFF800000> : vector<16xf32>
      %reduce_max3A_56 = vector.multi_reduction <maximumf>, %select_n3A_54, %reduce_max3A_55 [1] : vector<16x2048xf32> to vector<16xf32>
      %broadcast_in_dim3A_57 = vector.shape_cast %reduce_max3A_56 : vector<16xf32> to vector<16x1xf32>
      %ge3A_58 = vector.broadcast %broadcast_in_dim3A_57 : vector<16x1xf32> to vector<16x2048xf32>
      %ge3A_59 = arith.cmpf oge, %select_n3A_54, %ge3A_58 : vector<16x2048xf32>
      %jit3A_60 = arith.constant 2048 : i32
      %broadcast_in_dim3A_61 = vector.broadcast %jit3A_60 : i32 to vector<16x2048xi32>
      %select_n3A_62 = arith.select %ge3A_59, %iota3A, %broadcast_in_dim3A_61 : vector<16x2048xi1>, vector<16x2048xi32>
      %reduce_min3A_63 = arith.constant dense<2147483647> : vector<16xi32>
      %reduce_min3A_64 = vector.multi_reduction <minsi>, %select_n3A_62, %reduce_min3A_63 [1] : vector<16x2048xi32> to vector<16xi32>
      %broadcast_in_dim3A_65 = vector.shape_cast %reduce_min3A_64 : vector<16xi32> to vector<16x1xi32>
      %sub3A_66 = arith.subf %broadcast_in_dim3A_57, %broadcast_in_dim3A : vector<16x1xf32>
      %exp3A_67 = math.exp %sub3A_66 : vector<16x1xf32>
      %mul3A_68 = arith.mulf %exp3A_67, %div3A_13 : vector<16x1xf32>
      %reshape3A_69 = vector.shape_cast %mul3A_68 : vector<16x1xf32> to vector<16x1x1xf32>
      %reshape3A_70 = vector.shape_cast %broadcast_in_dim3A_65 : vector<16x1xi32> to vector<16x1x1xi32>
      %mul3A_71 = arith.constant 2048 : i32
      %mul3A_72 = vector.broadcast %mul3A_71 : i32 to vector<16x1x1xi32>
      %mul3A_73 = arith.muli %iota3A_14, %mul3A_72 : vector<16x1x1xi32>
      %add3A_74 = arith.addi %reshape3A_70, %mul3A_73 : vector<16x1x1xi32>
      %eq3A_75 = arith.constant 1 : i32
      %eq3A_76 = vector.broadcast %eq3A_75 : i32 to vector<1x1x8xi32>
      %eq3A_77 = arith.cmpi eq, %iota3A_15, %eq3A_76 : vector<1x1x8xi32>
      %broadcast_in_dim3A_78 = vector.shape_cast %eq3A_77 : vector<1x1x8xi1> to vector<1x1x8xi1>
      %broadcast_in_dim3A_79 = vector.broadcast %broadcast_in_dim3A_78 : vector<1x1x8xi1> to vector<16x1x8xi1>
      %broadcast_in_dim3A_80 = vector.shape_cast %add3A_74 : vector<16x1x1xi32> to vector<16x1x1xi32>
      %broadcast_in_dim3A_81 = vector.broadcast %broadcast_in_dim3A_80 : vector<16x1x1xi32> to vector<16x1x8xi32>
      %select_n3A_82 = arith.select %broadcast_in_dim3A_79, %broadcast_in_dim3A_81, %select_n3A_41 : vector<16x1x8xi1>, vector<16x1x8xi32>
      %eq3A_83 = arith.constant 1 : i32
      %eq3A_84 = vector.broadcast %eq3A_83 : i32 to vector<1x8x16xi32>
      %eq3A_85 = arith.cmpi eq, %iota3A_16, %eq3A_84 : vector<1x8x16xi32>
      %broadcast_in_dim3A_86 = vector.shape_cast %eq3A_85 : vector<1x8x16xi1> to vector<1x8x16xi1>
      %broadcast_in_dim3A_87 = vector.broadcast %broadcast_in_dim3A_86 : vector<1x8x16xi1> to vector<16x8x16xi1>
      %broadcast_in_dim3A_88 = vector.shape_cast %reshape3A_69 : vector<16x1x1xf32> to vector<16x1x1xf32>
      %broadcast_in_dim3A_89 = vector.broadcast %broadcast_in_dim3A_88 : vector<16x1x1xf32> to vector<16x8x16xf32>
      %select_n3A_90 = arith.select %broadcast_in_dim3A_87, %broadcast_in_dim3A_89, %select_n3A_49 : vector<16x8x16xi1>, vector<16x8x16xf32>
      %eq3A_91 = vector.broadcast %broadcast_in_dim3A_65 : vector<16x1xi32> to vector<16x2048xi32>
      %eq3A_92 = arith.cmpi eq, %iota3A, %eq3A_91 : vector<16x2048xi32>
      %jit3A_93 = arith.constant -3.000000e+38 : f32
      %broadcast_in_dim3A_94 = vector.broadcast %jit3A_93 : f32 to vector<16x2048xf32>
      %select_n3A_95 = arith.select %eq3A_92, %broadcast_in_dim3A_94, %select_n3A_54 : vector<16x2048xi1>, vector<16x2048xf32>
      %reduce_max3A_96 = arith.constant dense<0xFF800000> : vector<16xf32>
      %reduce_max3A_97 = vector.multi_reduction <maximumf>, %select_n3A_95, %reduce_max3A_96 [1] : vector<16x2048xf32> to vector<16xf32>
      %broadcast_in_dim3A_98 = vector.shape_cast %reduce_max3A_97 : vector<16xf32> to vector<16x1xf32>
      %ge3A_99 = vector.broadcast %broadcast_in_dim3A_98 : vector<16x1xf32> to vector<16x2048xf32>
      %ge3A_100 = arith.cmpf oge, %select_n3A_95, %ge3A_99 : vector<16x2048xf32>
      %jit3A_101 = arith.constant 2048 : i32
      %broadcast_in_dim3A_102 = vector.broadcast %jit3A_101 : i32 to vector<16x2048xi32>
      %select_n3A_103 = arith.select %ge3A_100, %iota3A, %broadcast_in_dim3A_102 : vector<16x2048xi1>, vector<16x2048xi32>
      %reduce_min3A_104 = arith.constant dense<2147483647> : vector<16xi32>
      %reduce_min3A_105 = vector.multi_reduction <minsi>, %select_n3A_103, %reduce_min3A_104 [1] : vector<16x2048xi32> to vector<16xi32>
      %broadcast_in_dim3A_106 = vector.shape_cast %reduce_min3A_105 : vector<16xi32> to vector<16x1xi32>
      %sub3A_107 = arith.subf %broadcast_in_dim3A_98, %broadcast_in_dim3A : vector<16x1xf32>
      %exp3A_108 = math.exp %sub3A_107 : vector<16x1xf32>
      %mul3A_109 = arith.mulf %exp3A_108, %div3A_13 : vector<16x1xf32>
      %reshape3A_110 = vector.shape_cast %mul3A_109 : vector<16x1xf32> to vector<16x1x1xf32>
      %reshape3A_111 = vector.shape_cast %broadcast_in_dim3A_106 : vector<16x1xi32> to vector<16x1x1xi32>
      %mul3A_112 = arith.constant 2048 : i32
      %mul3A_113 = vector.broadcast %mul3A_112 : i32 to vector<16x1x1xi32>
      %mul3A_114 = arith.muli %iota3A_14, %mul3A_113 : vector<16x1x1xi32>
      %add3A_115 = arith.addi %reshape3A_111, %mul3A_114 : vector<16x1x1xi32>
      %eq3A_116 = arith.constant 2 : i32
      %eq3A_117 = vector.broadcast %eq3A_116 : i32 to vector<1x1x8xi32>
      %eq3A_118 = arith.cmpi eq, %iota3A_15, %eq3A_117 : vector<1x1x8xi32>
      %broadcast_in_dim3A_119 = vector.shape_cast %eq3A_118 : vector<1x1x8xi1> to vector<1x1x8xi1>
      %broadcast_in_dim3A_120 = vector.broadcast %broadcast_in_dim3A_119 : vector<1x1x8xi1> to vector<16x1x8xi1>
      %broadcast_in_dim3A_121 = vector.shape_cast %add3A_115 : vector<16x1x1xi32> to vector<16x1x1xi32>
      %broadcast_in_dim3A_122 = vector.broadcast %broadcast_in_dim3A_121 : vector<16x1x1xi32> to vector<16x1x8xi32>
      %select_n3A_123 = arith.select %broadcast_in_dim3A_120, %broadcast_in_dim3A_122, %select_n3A_82 : vector<16x1x8xi1>, vector<16x1x8xi32>
      %eq3A_124 = arith.constant 2 : i32
      %eq3A_125 = vector.broadcast %eq3A_124 : i32 to vector<1x8x16xi32>
      %eq3A_126 = arith.cmpi eq, %iota3A_16, %eq3A_125 : vector<1x8x16xi32>
      %broadcast_in_dim3A_127 = vector.shape_cast %eq3A_126 : vector<1x8x16xi1> to vector<1x8x16xi1>
      %broadcast_in_dim3A_128 = vector.broadcast %broadcast_in_dim3A_127 : vector<1x8x16xi1> to vector<16x8x16xi1>
      %broadcast_in_dim3A_129 = vector.shape_cast %reshape3A_110 : vector<16x1x1xf32> to vector<16x1x1xf32>
      %broadcast_in_dim3A_130 = vector.broadcast %broadcast_in_dim3A_129 : vector<16x1x1xf32> to vector<16x8x16xf32>
      %select_n3A_131 = arith.select %broadcast_in_dim3A_128, %broadcast_in_dim3A_130, %select_n3A_90 : vector<16x8x16xi1>, vector<16x8x16xf32>
      %eq3A_132 = vector.broadcast %broadcast_in_dim3A_106 : vector<16x1xi32> to vector<16x2048xi32>
      %eq3A_133 = arith.cmpi eq, %iota3A, %eq3A_132 : vector<16x2048xi32>
      %jit3A_134 = arith.constant -3.000000e+38 : f32
      %broadcast_in_dim3A_135 = vector.broadcast %jit3A_134 : f32 to vector<16x2048xf32>
      %select_n3A_136 = arith.select %eq3A_133, %broadcast_in_dim3A_135, %select_n3A_95 : vector<16x2048xi1>, vector<16x2048xf32>
      %reduce_max3A_137 = arith.constant dense<0xFF800000> : vector<16xf32>
      %reduce_max3A_138 = vector.multi_reduction <maximumf>, %select_n3A_136, %reduce_max3A_137 [1] : vector<16x2048xf32> to vector<16xf32>
      %broadcast_in_dim3A_139 = vector.shape_cast %reduce_max3A_138 : vector<16xf32> to vector<16x1xf32>
      %ge3A_140 = vector.broadcast %broadcast_in_dim3A_139 : vector<16x1xf32> to vector<16x2048xf32>
      %ge3A_141 = arith.cmpf oge, %select_n3A_136, %ge3A_140 : vector<16x2048xf32>
      %jit3A_142 = arith.constant 2048 : i32
      %broadcast_in_dim3A_143 = vector.broadcast %jit3A_142 : i32 to vector<16x2048xi32>
      %select_n3A_144 = arith.select %ge3A_141, %iota3A, %broadcast_in_dim3A_143 : vector<16x2048xi1>, vector<16x2048xi32>
      %reduce_min3A_145 = arith.constant dense<2147483647> : vector<16xi32>
      %reduce_min3A_146 = vector.multi_reduction <minsi>, %select_n3A_144, %reduce_min3A_145 [1] : vector<16x2048xi32> to vector<16xi32>
      %broadcast_in_dim3A_147 = vector.shape_cast %reduce_min3A_146 : vector<16xi32> to vector<16x1xi32>
      %sub3A_148 = arith.subf %broadcast_in_dim3A_139, %broadcast_in_dim3A : vector<16x1xf32>
      %exp3A_149 = math.exp %sub3A_148 : vector<16x1xf32>
      %mul3A_150 = arith.mulf %exp3A_149, %div3A_13 : vector<16x1xf32>
      %reshape3A_151 = vector.shape_cast %mul3A_150 : vector<16x1xf32> to vector<16x1x1xf32>
      %reshape3A_152 = vector.shape_cast %broadcast_in_dim3A_147 : vector<16x1xi32> to vector<16x1x1xi32>
      %mul3A_153 = arith.constant 2048 : i32
      %mul3A_154 = vector.broadcast %mul3A_153 : i32 to vector<16x1x1xi32>
      %mul3A_155 = arith.muli %iota3A_14, %mul3A_154 : vector<16x1x1xi32>
      %add3A_156 = arith.addi %reshape3A_152, %mul3A_155 : vector<16x1x1xi32>
      %eq3A_157 = arith.constant 3 : i32
      %eq3A_158 = vector.broadcast %eq3A_157 : i32 to vector<1x1x8xi32>
      %eq3A_159 = arith.cmpi eq, %iota3A_15, %eq3A_158 : vector<1x1x8xi32>
      %broadcast_in_dim3A_160 = vector.shape_cast %eq3A_159 : vector<1x1x8xi1> to vector<1x1x8xi1>
      %broadcast_in_dim3A_161 = vector.broadcast %broadcast_in_dim3A_160 : vector<1x1x8xi1> to vector<16x1x8xi1>
      %broadcast_in_dim3A_162 = vector.shape_cast %add3A_156 : vector<16x1x1xi32> to vector<16x1x1xi32>
      %broadcast_in_dim3A_163 = vector.broadcast %broadcast_in_dim3A_162 : vector<16x1x1xi32> to vector<16x1x8xi32>
      %select_n3A_164 = arith.select %broadcast_in_dim3A_161, %broadcast_in_dim3A_163, %select_n3A_123 : vector<16x1x8xi1>, vector<16x1x8xi32>
      %eq3A_165 = arith.constant 3 : i32
      %eq3A_166 = vector.broadcast %eq3A_165 : i32 to vector<1x8x16xi32>
      %eq3A_167 = arith.cmpi eq, %iota3A_16, %eq3A_166 : vector<1x8x16xi32>
      %broadcast_in_dim3A_168 = vector.shape_cast %eq3A_167 : vector<1x8x16xi1> to vector<1x8x16xi1>
      %broadcast_in_dim3A_169 = vector.broadcast %broadcast_in_dim3A_168 : vector<1x8x16xi1> to vector<16x8x16xi1>
      %broadcast_in_dim3A_170 = vector.shape_cast %reshape3A_151 : vector<16x1x1xf32> to vector<16x1x1xf32>
      %broadcast_in_dim3A_171 = vector.broadcast %broadcast_in_dim3A_170 : vector<16x1x1xf32> to vector<16x8x16xf32>
      %select_n3A_172 = arith.select %broadcast_in_dim3A_169, %broadcast_in_dim3A_171, %select_n3A_131 : vector<16x8x16xi1>, vector<16x8x16xf32>
      %eq3A_173 = vector.broadcast %broadcast_in_dim3A_147 : vector<16x1xi32> to vector<16x2048xi32>
      %eq3A_174 = arith.cmpi eq, %iota3A, %eq3A_173 : vector<16x2048xi32>
      %jit3A_175 = arith.constant -3.000000e+38 : f32
      %broadcast_in_dim3A_176 = vector.broadcast %jit3A_175 : f32 to vector<16x2048xf32>
      %select_n3A_177 = arith.select %eq3A_174, %broadcast_in_dim3A_176, %select_n3A_136 : vector<16x2048xi1>, vector<16x2048xf32>
      %reduce_max3A_178 = arith.constant dense<0xFF800000> : vector<16xf32>
      %reduce_max3A_179 = vector.multi_reduction <maximumf>, %select_n3A_177, %reduce_max3A_178 [1] : vector<16x2048xf32> to vector<16xf32>
      %broadcast_in_dim3A_180 = vector.shape_cast %reduce_max3A_179 : vector<16xf32> to vector<16x1xf32>
      %ge3A_181 = vector.broadcast %broadcast_in_dim3A_180 : vector<16x1xf32> to vector<16x2048xf32>
      %ge3A_182 = arith.cmpf oge, %select_n3A_177, %ge3A_181 : vector<16x2048xf32>
      %jit3A_183 = arith.constant 2048 : i32
      %broadcast_in_dim3A_184 = vector.broadcast %jit3A_183 : i32 to vector<16x2048xi32>
      %select_n3A_185 = arith.select %ge3A_182, %iota3A, %broadcast_in_dim3A_184 : vector<16x2048xi1>, vector<16x2048xi32>
      %reduce_min3A_186 = arith.constant dense<2147483647> : vector<16xi32>
      %reduce_min3A_187 = vector.multi_reduction <minsi>, %select_n3A_185, %reduce_min3A_186 [1] : vector<16x2048xi32> to vector<16xi32>
      %broadcast_in_dim3A_188 = vector.shape_cast %reduce_min3A_187 : vector<16xi32> to vector<16x1xi32>
      %sub3A_189 = arith.subf %broadcast_in_dim3A_180, %broadcast_in_dim3A : vector<16x1xf32>
      %exp3A_190 = math.exp %sub3A_189 : vector<16x1xf32>
      %mul3A_191 = arith.mulf %exp3A_190, %div3A_13 : vector<16x1xf32>
      %reshape3A_192 = vector.shape_cast %mul3A_191 : vector<16x1xf32> to vector<16x1x1xf32>
      %reshape3A_193 = vector.shape_cast %broadcast_in_dim3A_188 : vector<16x1xi32> to vector<16x1x1xi32>
      %mul3A_194 = arith.constant 2048 : i32
      %mul3A_195 = vector.broadcast %mul3A_194 : i32 to vector<16x1x1xi32>
      %mul3A_196 = arith.muli %iota3A_14, %mul3A_195 : vector<16x1x1xi32>
      %add3A_197 = arith.addi %reshape3A_193, %mul3A_196 : vector<16x1x1xi32>
      %eq3A_198 = arith.constant 4 : i32
      %eq3A_199 = vector.broadcast %eq3A_198 : i32 to vector<1x1x8xi32>
      %eq3A_200 = arith.cmpi eq, %iota3A_15, %eq3A_199 : vector<1x1x8xi32>
      %broadcast_in_dim3A_201 = vector.shape_cast %eq3A_200 : vector<1x1x8xi1> to vector<1x1x8xi1>
      %broadcast_in_dim3A_202 = vector.broadcast %broadcast_in_dim3A_201 : vector<1x1x8xi1> to vector<16x1x8xi1>
      %broadcast_in_dim3A_203 = vector.shape_cast %add3A_197 : vector<16x1x1xi32> to vector<16x1x1xi32>
      %broadcast_in_dim3A_204 = vector.broadcast %broadcast_in_dim3A_203 : vector<16x1x1xi32> to vector<16x1x8xi32>
      %select_n3A_205 = arith.select %broadcast_in_dim3A_202, %broadcast_in_dim3A_204, %select_n3A_164 : vector<16x1x8xi1>, vector<16x1x8xi32>
      %eq3A_206 = arith.constant 4 : i32
      %eq3A_207 = vector.broadcast %eq3A_206 : i32 to vector<1x8x16xi32>
      %eq3A_208 = arith.cmpi eq, %iota3A_16, %eq3A_207 : vector<1x8x16xi32>
      %broadcast_in_dim3A_209 = vector.shape_cast %eq3A_208 : vector<1x8x16xi1> to vector<1x8x16xi1>
      %broadcast_in_dim3A_210 = vector.broadcast %broadcast_in_dim3A_209 : vector<1x8x16xi1> to vector<16x8x16xi1>
      %broadcast_in_dim3A_211 = vector.shape_cast %reshape3A_192 : vector<16x1x1xf32> to vector<16x1x1xf32>
      %broadcast_in_dim3A_212 = vector.broadcast %broadcast_in_dim3A_211 : vector<16x1x1xf32> to vector<16x8x16xf32>
      %select_n3A_213 = arith.select %broadcast_in_dim3A_210, %broadcast_in_dim3A_212, %select_n3A_172 : vector<16x8x16xi1>, vector<16x8x16xf32>
      %eq3A_214 = vector.broadcast %broadcast_in_dim3A_188 : vector<16x1xi32> to vector<16x2048xi32>
      %eq3A_215 = arith.cmpi eq, %iota3A, %eq3A_214 : vector<16x2048xi32>
      %jit3A_216 = arith.constant -3.000000e+38 : f32
      %broadcast_in_dim3A_217 = vector.broadcast %jit3A_216 : f32 to vector<16x2048xf32>
      %select_n3A_218 = arith.select %eq3A_215, %broadcast_in_dim3A_217, %select_n3A_177 : vector<16x2048xi1>, vector<16x2048xf32>
      %reduce_max3A_219 = arith.constant dense<0xFF800000> : vector<16xf32>
      %reduce_max3A_220 = vector.multi_reduction <maximumf>, %select_n3A_218, %reduce_max3A_219 [1] : vector<16x2048xf32> to vector<16xf32>
      %broadcast_in_dim3A_221 = vector.shape_cast %reduce_max3A_220 : vector<16xf32> to vector<16x1xf32>
      %ge3A_222 = vector.broadcast %broadcast_in_dim3A_221 : vector<16x1xf32> to vector<16x2048xf32>
      %ge3A_223 = arith.cmpf oge, %select_n3A_218, %ge3A_222 : vector<16x2048xf32>
      %jit3A_224 = arith.constant 2048 : i32
      %broadcast_in_dim3A_225 = vector.broadcast %jit3A_224 : i32 to vector<16x2048xi32>
      %select_n3A_226 = arith.select %ge3A_223, %iota3A, %broadcast_in_dim3A_225 : vector<16x2048xi1>, vector<16x2048xi32>
      %reduce_min3A_227 = arith.constant dense<2147483647> : vector<16xi32>
      %reduce_min3A_228 = vector.multi_reduction <minsi>, %select_n3A_226, %reduce_min3A_227 [1] : vector<16x2048xi32> to vector<16xi32>
      %broadcast_in_dim3A_229 = vector.shape_cast %reduce_min3A_228 : vector<16xi32> to vector<16x1xi32>
      %sub3A_230 = arith.subf %broadcast_in_dim3A_221, %broadcast_in_dim3A : vector<16x1xf32>
      %exp3A_231 = math.exp %sub3A_230 : vector<16x1xf32>
      %mul3A_232 = arith.mulf %exp3A_231, %div3A_13 : vector<16x1xf32>
      %reshape3A_233 = vector.shape_cast %mul3A_232 : vector<16x1xf32> to vector<16x1x1xf32>
      %reshape3A_234 = vector.shape_cast %broadcast_in_dim3A_229 : vector<16x1xi32> to vector<16x1x1xi32>
      %mul3A_235 = arith.constant 2048 : i32
      %mul3A_236 = vector.broadcast %mul3A_235 : i32 to vector<16x1x1xi32>
      %mul3A_237 = arith.muli %iota3A_14, %mul3A_236 : vector<16x1x1xi32>
      %add3A_238 = arith.addi %reshape3A_234, %mul3A_237 : vector<16x1x1xi32>
      %eq3A_239 = arith.constant 5 : i32
      %eq3A_240 = vector.broadcast %eq3A_239 : i32 to vector<1x1x8xi32>
      %eq3A_241 = arith.cmpi eq, %iota3A_15, %eq3A_240 : vector<1x1x8xi32>
      %broadcast_in_dim3A_242 = vector.shape_cast %eq3A_241 : vector<1x1x8xi1> to vector<1x1x8xi1>
      %broadcast_in_dim3A_243 = vector.broadcast %broadcast_in_dim3A_242 : vector<1x1x8xi1> to vector<16x1x8xi1>
      %broadcast_in_dim3A_244 = vector.shape_cast %add3A_238 : vector<16x1x1xi32> to vector<16x1x1xi32>
      %broadcast_in_dim3A_245 = vector.broadcast %broadcast_in_dim3A_244 : vector<16x1x1xi32> to vector<16x1x8xi32>
      %select_n3A_246 = arith.select %broadcast_in_dim3A_243, %broadcast_in_dim3A_245, %select_n3A_205 : vector<16x1x8xi1>, vector<16x1x8xi32>
      %eq3A_247 = arith.constant 5 : i32
      %eq3A_248 = vector.broadcast %eq3A_247 : i32 to vector<1x8x16xi32>
      %eq3A_249 = arith.cmpi eq, %iota3A_16, %eq3A_248 : vector<1x8x16xi32>
      %broadcast_in_dim3A_250 = vector.shape_cast %eq3A_249 : vector<1x8x16xi1> to vector<1x8x16xi1>
      %broadcast_in_dim3A_251 = vector.broadcast %broadcast_in_dim3A_250 : vector<1x8x16xi1> to vector<16x8x16xi1>
      %broadcast_in_dim3A_252 = vector.shape_cast %reshape3A_233 : vector<16x1x1xf32> to vector<16x1x1xf32>
      %broadcast_in_dim3A_253 = vector.broadcast %broadcast_in_dim3A_252 : vector<16x1x1xf32> to vector<16x8x16xf32>
      %select_n3A_254 = arith.select %broadcast_in_dim3A_251, %broadcast_in_dim3A_253, %select_n3A_213 : vector<16x8x16xi1>, vector<16x8x16xf32>
      %eq3A_255 = vector.broadcast %broadcast_in_dim3A_229 : vector<16x1xi32> to vector<16x2048xi32>
      %eq3A_256 = arith.cmpi eq, %iota3A, %eq3A_255 : vector<16x2048xi32>
      %jit3A_257 = arith.constant -3.000000e+38 : f32
      %broadcast_in_dim3A_258 = vector.broadcast %jit3A_257 : f32 to vector<16x2048xf32>
      %select_n3A_259 = arith.select %eq3A_256, %broadcast_in_dim3A_258, %select_n3A_218 : vector<16x2048xi1>, vector<16x2048xf32>
      %reduce_max3A_260 = arith.constant dense<0xFF800000> : vector<16xf32>
      %reduce_max3A_261 = vector.multi_reduction <maximumf>, %select_n3A_259, %reduce_max3A_260 [1] : vector<16x2048xf32> to vector<16xf32>
      %broadcast_in_dim3A_262 = vector.shape_cast %reduce_max3A_261 : vector<16xf32> to vector<16x1xf32>
      %ge3A_263 = vector.broadcast %broadcast_in_dim3A_262 : vector<16x1xf32> to vector<16x2048xf32>
      %ge3A_264 = arith.cmpf oge, %select_n3A_259, %ge3A_263 : vector<16x2048xf32>
      %jit3A_265 = arith.constant 2048 : i32
      %broadcast_in_dim3A_266 = vector.broadcast %jit3A_265 : i32 to vector<16x2048xi32>
      %select_n3A_267 = arith.select %ge3A_264, %iota3A, %broadcast_in_dim3A_266 : vector<16x2048xi1>, vector<16x2048xi32>
      %reduce_min3A_268 = arith.constant dense<2147483647> : vector<16xi32>
      %reduce_min3A_269 = vector.multi_reduction <minsi>, %select_n3A_267, %reduce_min3A_268 [1] : vector<16x2048xi32> to vector<16xi32>
      %broadcast_in_dim3A_270 = vector.shape_cast %reduce_min3A_269 : vector<16xi32> to vector<16x1xi32>
      %sub3A_271 = arith.subf %broadcast_in_dim3A_262, %broadcast_in_dim3A : vector<16x1xf32>
      %exp3A_272 = math.exp %sub3A_271 : vector<16x1xf32>
      %mul3A_273 = arith.mulf %exp3A_272, %div3A_13 : vector<16x1xf32>
      %reshape3A_274 = vector.shape_cast %mul3A_273 : vector<16x1xf32> to vector<16x1x1xf32>
      %reshape3A_275 = vector.shape_cast %broadcast_in_dim3A_270 : vector<16x1xi32> to vector<16x1x1xi32>
      %mul3A_276 = arith.constant 2048 : i32
      %mul3A_277 = vector.broadcast %mul3A_276 : i32 to vector<16x1x1xi32>
      %mul3A_278 = arith.muli %iota3A_14, %mul3A_277 : vector<16x1x1xi32>
      %add3A_279 = arith.addi %reshape3A_275, %mul3A_278 : vector<16x1x1xi32>
      %eq3A_280 = arith.constant 6 : i32
      %eq3A_281 = vector.broadcast %eq3A_280 : i32 to vector<1x1x8xi32>
      %eq3A_282 = arith.cmpi eq, %iota3A_15, %eq3A_281 : vector<1x1x8xi32>
      %broadcast_in_dim3A_283 = vector.shape_cast %eq3A_282 : vector<1x1x8xi1> to vector<1x1x8xi1>
      %broadcast_in_dim3A_284 = vector.broadcast %broadcast_in_dim3A_283 : vector<1x1x8xi1> to vector<16x1x8xi1>
      %broadcast_in_dim3A_285 = vector.shape_cast %add3A_279 : vector<16x1x1xi32> to vector<16x1x1xi32>
      %broadcast_in_dim3A_286 = vector.broadcast %broadcast_in_dim3A_285 : vector<16x1x1xi32> to vector<16x1x8xi32>
      %select_n3A_287 = arith.select %broadcast_in_dim3A_284, %broadcast_in_dim3A_286, %select_n3A_246 : vector<16x1x8xi1>, vector<16x1x8xi32>
      %eq3A_288 = arith.constant 6 : i32
      %eq3A_289 = vector.broadcast %eq3A_288 : i32 to vector<1x8x16xi32>
      %eq3A_290 = arith.cmpi eq, %iota3A_16, %eq3A_289 : vector<1x8x16xi32>
      %broadcast_in_dim3A_291 = vector.shape_cast %eq3A_290 : vector<1x8x16xi1> to vector<1x8x16xi1>
      %broadcast_in_dim3A_292 = vector.broadcast %broadcast_in_dim3A_291 : vector<1x8x16xi1> to vector<16x8x16xi1>
      %broadcast_in_dim3A_293 = vector.shape_cast %reshape3A_274 : vector<16x1x1xf32> to vector<16x1x1xf32>
      %broadcast_in_dim3A_294 = vector.broadcast %broadcast_in_dim3A_293 : vector<16x1x1xf32> to vector<16x8x16xf32>
      %select_n3A_295 = arith.select %broadcast_in_dim3A_292, %broadcast_in_dim3A_294, %select_n3A_254 : vector<16x8x16xi1>, vector<16x8x16xf32>
      %eq3A_296 = vector.broadcast %broadcast_in_dim3A_270 : vector<16x1xi32> to vector<16x2048xi32>
      %eq3A_297 = arith.cmpi eq, %iota3A, %eq3A_296 : vector<16x2048xi32>
      %jit3A_298 = arith.constant -3.000000e+38 : f32
      %broadcast_in_dim3A_299 = vector.broadcast %jit3A_298 : f32 to vector<16x2048xf32>
      %select_n3A_300 = arith.select %eq3A_297, %broadcast_in_dim3A_299, %select_n3A_259 : vector<16x2048xi1>, vector<16x2048xf32>
      %reduce_max3A_301 = arith.constant dense<0xFF800000> : vector<16xf32>
      %reduce_max3A_302 = vector.multi_reduction <maximumf>, %select_n3A_300, %reduce_max3A_301 [1] : vector<16x2048xf32> to vector<16xf32>
      %broadcast_in_dim3A_303 = vector.shape_cast %reduce_max3A_302 : vector<16xf32> to vector<16x1xf32>
      %ge3A_304 = vector.broadcast %broadcast_in_dim3A_303 : vector<16x1xf32> to vector<16x2048xf32>
      %ge3A_305 = arith.cmpf oge, %select_n3A_300, %ge3A_304 : vector<16x2048xf32>
      %jit3A_306 = arith.constant 2048 : i32
      %broadcast_in_dim3A_307 = vector.broadcast %jit3A_306 : i32 to vector<16x2048xi32>
      %select_n3A_308 = arith.select %ge3A_305, %iota3A, %broadcast_in_dim3A_307 : vector<16x2048xi1>, vector<16x2048xi32>
      %reduce_min3A_309 = arith.constant dense<2147483647> : vector<16xi32>
      %reduce_min3A_310 = vector.multi_reduction <minsi>, %select_n3A_308, %reduce_min3A_309 [1] : vector<16x2048xi32> to vector<16xi32>
      %broadcast_in_dim3A_311 = vector.shape_cast %reduce_min3A_310 : vector<16xi32> to vector<16x1xi32>
      %sub3A_312 = arith.subf %broadcast_in_dim3A_303, %broadcast_in_dim3A : vector<16x1xf32>
      %exp3A_313 = math.exp %sub3A_312 : vector<16x1xf32>
      %mul3A_314 = arith.mulf %exp3A_313, %div3A_13 : vector<16x1xf32>
      %reshape3A_315 = vector.shape_cast %mul3A_314 : vector<16x1xf32> to vector<16x1x1xf32>
      %reshape3A_316 = vector.shape_cast %broadcast_in_dim3A_311 : vector<16x1xi32> to vector<16x1x1xi32>
      %mul3A_317 = arith.constant 2048 : i32
      %mul3A_318 = vector.broadcast %mul3A_317 : i32 to vector<16x1x1xi32>
      %mul3A_319 = arith.muli %iota3A_14, %mul3A_318 : vector<16x1x1xi32>
      %add3A_320 = arith.addi %reshape3A_316, %mul3A_319 : vector<16x1x1xi32>
      %eq3A_321 = arith.constant 7 : i32
      %eq3A_322 = vector.broadcast %eq3A_321 : i32 to vector<1x1x8xi32>
      %eq3A_323 = arith.cmpi eq, %iota3A_15, %eq3A_322 : vector<1x1x8xi32>
      %broadcast_in_dim3A_324 = vector.shape_cast %eq3A_323 : vector<1x1x8xi1> to vector<1x1x8xi1>
      %broadcast_in_dim3A_325 = vector.broadcast %broadcast_in_dim3A_324 : vector<1x1x8xi1> to vector<16x1x8xi1>
      %broadcast_in_dim3A_326 = vector.shape_cast %add3A_320 : vector<16x1x1xi32> to vector<16x1x1xi32>
      %broadcast_in_dim3A_327 = vector.broadcast %broadcast_in_dim3A_326 : vector<16x1x1xi32> to vector<16x1x8xi32>
      %select_n3A_328 = arith.select %broadcast_in_dim3A_325, %broadcast_in_dim3A_327, %select_n3A_287 : vector<16x1x8xi1>, vector<16x1x8xi32>
      %eq3A_329 = arith.constant 7 : i32
      %eq3A_330 = vector.broadcast %eq3A_329 : i32 to vector<1x8x16xi32>
      %eq3A_331 = arith.cmpi eq, %iota3A_16, %eq3A_330 : vector<1x8x16xi32>
      %broadcast_in_dim3A_332 = vector.shape_cast %eq3A_331 : vector<1x8x16xi1> to vector<1x8x16xi1>
      %broadcast_in_dim3A_333 = vector.broadcast %broadcast_in_dim3A_332 : vector<1x8x16xi1> to vector<16x8x16xi1>
      %broadcast_in_dim3A_334 = vector.shape_cast %reshape3A_315 : vector<16x1x1xf32> to vector<16x1x1xf32>
      %broadcast_in_dim3A_335 = vector.broadcast %broadcast_in_dim3A_334 : vector<16x1x1xf32> to vector<16x8x16xf32>
      %select_n3A_336 = arith.select %broadcast_in_dim3A_333, %broadcast_in_dim3A_335, %select_n3A_295 : vector<16x8x16xi1>, vector<16x8x16xf32>
      %swap3A = arith.constant 0 : index
      %swap3A_337 = arith.constant 0 : index
      %swap3A_338 = arith.constant 0 : index
      %swap3A_339 = vector.load %arg3[%swap3A, %swap3A_337, %swap3A_338] : memref<16x1x8xi32, #tpu.memory_space<vmem>>, vector<16x1x8xi32>
      tpu.vector_store %arg3[%swap3A, %swap3A_337, %swap3A_338], %select_n3A_328 {strides = array<i32>} : memref<16x1x8xi32, #tpu.memory_space<vmem>>, vector<16x1x8xi32>,
      %swap3A_340 = arith.constant 0 : index
      %swap3A_341 = arith.constant 0 : index
      %swap3A_342 = arith.constant 0 : index
      %swap3A_343 = vector.load %arg4[%swap3A_340, %swap3A_341, %swap3A_342] : memref<16x8x16xf32, #tpu.memory_space<vmem>>, vector<16x8x16xf32>
      tpu.vector_store %arg4[%swap3A_340, %swap3A_341, %swap3A_342], %select_n3A_336 {strides = array<i32>} : memref<16x8x16xf32, #tpu.memory_space<vmem>>, vector<16x8x16xf32>,
    } else {
    }
    return
  }
  func.func @transform_0(%arg0: i32) -> (i32, i32, i32) {
    %min3A = arith.constant 15 : i32
    %min3A_0 = arith.minsi %arg0, %min3A : i32
    %c0_i32 = arith.constant 0 : i32
    %c0_i32_1 = arith.constant 0 : i32
    %c0_i32_2 = arith.constant 0 : i32
    return %min3A_0, %c0_i32, %c0_i32_1 : i32, i32, i32
  }
  func.func @transform_1(%arg0: i32) -> (i32, i32) {
    %c0_i32 = arith.constant 0 : i32
    %c0_i32_0 = arith.constant 0 : i32
    %c0_i32_1 = arith.constant 0 : i32
    return %c0_i32, %c0_i32_0 : i32, i32
  }
  func.func @transform_2(%arg0: i32) -> (i32, i32, i32) {
    %c0_i32 = arith.constant 0 : i32
    %c0_i32_0 = arith.constant 0 : i32
    %c0_i32_1 = arith.constant 0 : i32
    %c0_i32_2 = arith.constant 0 : i32
    return %c0_i32, %c0_i32_0, %c0_i32_1 : i32, i32, i32
  }
  func.func @transform_3(%arg0: i32) -> (i32, i32, i32) {
    %c0_i32 = arith.constant 0 : i32
    %c0_i32_0 = arith.constant 0 : i32
    %c0_i32_1 = arith.constant 0 : i32
    %c0_i32_2 = arith.constant 0 : i32
    return %c0_i32, %c0_i32_0, %c0_i32_1 : i32, i32, i32
  }
}

</mosaic_0001>

<sc_bundles>
// kernel: kernel.4.cloned.1.call-start
scs
__scs_entry_jumppad:
0x0: {  	(pc) =	sbr.rel $0x88, $3  }
0x1: {  	(tag) =	ssettag $0x0;
	lr =	simm.s32 $0x1  }
0x2: {  	[smem:$0x3F9F] =	sst lr;
	_ =	strace $0xD0000000  }
0x3: {  	_ = 	snop  }
0x4: {  	_ = 	snop  }
0x5: {  	_ = 	snop  }
0x6: {  	_ = 	snop  }
0x7: {  	_ = 	snop  }
__scs_overlays_trampoline_lowered:
0x8: {  	[smem:$0x3FAE] =	sst s0  }
0x9: {  	[smem:$0x3FAF] =	sst s1  }
0xa: {  	[smem:$0x3FB0] =	sst s2  }
0xb: {  	[smem:$0x3FB1] =	sst s3  }
0xc: {  	[smem:$0x3FB2] =	sst s4  }
0xd: {  	[smem:$0x3FB3] =	sst s5  }
0xe: {  	[smem:$0x3FB4] =	sst s6  }
0xf: {  	[smem:$0x3FB5] =	sst s7  }
0x10: {  	[smem:$0x3FB6] =	sst s8  }
0x11: {  	[smem:$0x3FB7] =	sst s9;
	s0 =	simm.s32 @!p0 $0x0  }
0x12: {  	s1 =	sld [smem:$0x3F9D];
	s0 =	simm.s32 @p0 $0x1  }
0x13: {  	[smem:$0x3FB8] =	sst s0;
	s0 =	simm.s32 @!p1 $0x0  }
0x14: {  	s2 =	sld [smem:$0x3F9C];
	s0 =	simm.s32 @p1 $0x1  }
0x15: {  	[smem:$0x3FB9] =	sst s0;
	s0 =	simm.s32 @!p2 $0x0  }
0x16: {  	s3 =	sld [smem:$0x3FDB];
	s0 =	simm.s32 @p2 $0x1  }
0x17: {  	s4 =	simm.s32 $0x1BF5;
	[smem:$0x3FBB] =	sst s0  }
0x18: {  	s0 =	sld [smem:$0x3F9E];
	_ =	swait.ge [sflag:s4], $0x0  }
0x19: {  	s7 =	sld [smem:$0x3F9F]  }
0x1a: {  	s8 =	sadd.s32 $0xFFFFE003, lr  }
0x1b: {  	s9 =	sadd.s32 $0xFFFFFEF7, lr;
	s5 =	simm.s32 $0xFFFFFFFF;
	p2 =	slt.u32 s8, $0xFFFFF086  }
0x1c: {  	p1 =	slt.u32 s9, $0xF7A;
	s5 =	simm.s32 @!p2 $0x0  }
0x1d: {  	s5 =	simm.s32 @p1 $0x1;
	p0 =	seq.s32 s7, s2  }
0x1e: {  	s7 =	smul.u32 @!p0 $0xF7A, s2;
	p2 =	seq.s32 @!p0 s5, $0x0  }
0x1f: {  	s9 =	smul.u32 $0xF7A, s1;
	s8 =	simm.s32 @!p0 $0x1BF5;
	p2 =	por !p2, p0  }
0x20: {  	[sflag:s8] =	ssyncset.s32 @!p0 $0xFFFFF086;
	s6 =	sadd.s32 @!p0 s3, s7;
	s7 =	simm.s32 @!p0 $0x108  }
0x21: {  	s3 =	sadd.s32 s3, s9;
	s6 =	sadd.s32 @!p0 $0x88, s6;
	s7 =	simm.s32 @p2 $0x1082  }
0x22: {  	[simem:s7], [sflag:s8] =	dma.local @!p0 [hbm:s6], $0xF7A  }
0x23: {  	s9 =	sor.u32 $0xD0000000, s2;
	s6 =	simm.s32 $0x108;
	_ =	swait.ge @!p0 [sflag:s8], $0x0  }
0x24: {  	s3 =	sadd.s32 $0x88, s3;
	s6 =	simm.s32 @!p1 $0x1082;
	[sflag:s4] =	ssyncset.s32 $0xFFFFF086  }
0x25: {  	[simem:s6], [sflag:s4] =	dma.local [hbm:s3], $0xF7A  }
0x26: {  	[smem:$0x3F9F] =	sst s1;
	(tag) =	ssettag s2;
	_ =	strace s9  }
0x27: {  	s1 =	sld [smem:$0x3FAF]  }
0x28: {  	s2 =	sld [smem:$0x3FB0]  }
0x29: {  	s4 =	sld [smem:$0x3FB2]  }
0x2a: {  	p0 =	seq.s32 s5, $0x0;
	s5 =	sld [smem:$0x3FB3]  }
0x2b: {  	s6 =	sld [smem:$0x3FB4]  }
0x2c: {  	s7 =	sld [smem:$0x3FB5]  }
0x2d: {  	s3 =	simm.s32 $0x108;
	s8 =	sld [smem:$0x3FB6]  }
0x2e: {  	s3 =	simm.s32 @!p0 $0x1082;
	s9 =	sld [smem:$0x3FB7]  }
0x2f: {  	lr =	sadd.s32 s0, s3;
	s0 =	sld [smem:$0x3FAE]  }
0x30: {  	s3 =	sld [smem:$0x3FB1]  }
0x31: {  	[smem:$0x3FBA] =	sst s10  }
0x32: {  	s10 =	sld [smem:$0x3FB8];
	_ =	sdelay $0x3  }
0x33: {  	p0 =	seq.s32 s10, $0x1;
	s10 =	sld [smem:$0x3FBA];
	_ =	sdelay $0x3  }
0x34: {  	[smem:$0x3FBA] =	sst s10  }
0x35: {  	s10 =	sld [smem:$0x3FB9];
	_ =	sdelay $0x3  }
0x36: {  	p1 =	seq.s32 s10, $0x1;
	s10 =	sld [smem:$0x3FBA];
	_ =	sdelay $0x3  }
0x37: {  	[smem:$0x3FBA] =	sst s10  }
0x38: {  	s10 =	sld [smem:$0x3FBB]  }
0x39: {  	_ = 	snop;
	(pc) =	sbr.ind lr, $3  }
0x3a: {  	_ = 	snop  }
0x3b: {  	_ = 	snop  }
0x3c: {  	p2 =	seq.s32 s10, $0x1;
	s10 =	sld [smem:$0x3FBA]  }
0x3d: {  	_ =	shalt  }
0x3e: {  	_ =	shalt  }
0x3f: {  	_ =	shalt  }
0x40: {  	_ =	shalt  }
0x41: {  	_ =	shalt  }
0x42: {  	_ =	shalt  }
0x43: {  	_ =	shalt  }
0x44: {  	_ =	shalt  }
0x45: {  	_ =	shalt  }
0x46: {  	_ =	shalt  }
0x47: {  	_ =	shalt  }
0x48: {  	_ =	shalt  }
0x49: {  	_ =	shalt  }
0x4a: {  	_ =	shalt  }
0x4b: {  	_ =	shalt  }
0x4c: {  	_ =	shalt  }
0x4d: {  	_ =	shalt  }
0x4e: {  	_ =	shalt  }
0x4f: {  	_ =	shalt  }
0x50: {  	_ =	shalt  }
0x51: {  	_ =	shalt  }
0x52: {  	_ =	shalt  }
0x53: {  	_ =	shalt  }
0x54: {  	_ =	shalt  }
0x55: {  	_ =	shalt  }
0x56: {  	_ =	shalt  }
0x57: {  	_ =	shalt  }
0x58: {  	_ =	shalt  }
0x59: {  	_ =	shalt  }
0x5a: {  	_ =	shalt  }
0x5b: {  	_ =	shalt  }
0x5c: {  	_ =	shalt  }
0x5d: {  	_ =	shalt  }
0x5e: {  	_ =	shalt  }
0x5f: {  	_ =	shalt  }
0x60: {  	_ =	shalt  }
0x61: {  	_ =	shalt  }
0x62: {  	_ =	shalt  }
0x63: {  	_ =	shalt  }
0x64: {  	_ =	shalt  }
0x65: {  	_ =	shalt  }
0x66: {  	_ =	shalt  }
0x67: {  	_ =	shalt  }
0x68: {  	_ =	shalt  }
0x69: {  	_ =	shalt  }
0x6a: {  	_ =	shalt  }
0x6b: {  	_ =	shalt  }
0x6c: {  	_ =	shalt  }
0x6d: {  	_ =	shalt  }
0x6e: {  	_ =	shalt  }
0x6f: {  	_ =	shalt  }
0x70: {  	_ =	shalt  }
0x71: {  	_ =	shalt  }
0x72: {  	_ =	shalt  }
0x73: {  	_ =	shalt  }
0x74: {  	_ =	shalt  }
0x75: {  	_ =	shalt  }
0x76: {  	_ =	shalt  }
0x77: {  	_ =	shalt  }
0x78: {  	_ =	shalt  }
0x79: {  	_ =	shalt  }
0x7a: {  	_ =	shalt  }
0x7b: {  	_ =	shalt  }
0x7c: {  	_ =	shalt  }
0x7d: {  	_ =	shalt  }
0x7e: {  	_ =	shalt  }
0x7f: {  	_ =	shalt  }
0x80: {  	_ =	shalt  }
0x81: {  	_ =	shalt  }
0x82: {  	_ =	shalt  }
0x83: {  	_ =	shalt  }
0x84: {  	_ =	shalt  }
0x85: {  	_ =	shalt  }
0x86: {  	_ =	shalt  }
0x87: {  	_ =	shalt  }
.Lfunc_end0:
.L_simem_size_0:
called_computation_lowered:
.L_overlay_start_0:
0x88: {  	s2 =	sld [smem:$0x3FD9]  }
0x89: {  	s3 =	sld [smem:$0x3FFE];
	_ =	sdelay $0x1  }
0x8a: {  	s1 =	srdreg.scid  }
0x8b: {  	s0 =	sand.u32 $0x1, s1  }
0x8c: {  	s17 =	sshll.u32 s0, $0xA;
	s2 =	sadd.s32 s3, s2  }
0x8d: {  	s2 =	sadd.s32 s2, s17  }
0x8e: {  	[smem:$0x3FC6] =	sst s2  }
0x8f: {  	_ = 	snop  }
0x90: {  	s2 =	sld [smem:$0x3FC9]  }
0x91: {  	s18 =	sld [smem:$0x3FD0];
	(tm) =	ssettm $0x1  }
0x92: {  	s4 =	sld [smem:$0x3FFB];
	_ =	sdelay $0x3  }
0x93: {  	_ =	strace s4  }
0x94: {  	s4 =	sld [smem:$0x3FFC];
	_ =	sdelay $0x3  }
0x95: {  	_ =	strace s4  }
0x96: {  	s4 =	sld [smem:$0x3FFD];
	_ =	sdelay $0x3  }
0x97: {  	_ =	strace s4  }
0x98: {  	_ =	strace $0x8FFFFFFF  }
0x99: {  	s19 =	sld [smem:$0x3FDB];
	_ =	sdelay $0x1  }
0x9a: {  	s5 =	simm.s32 $_scs_section_size  }
0x9b: {  	s6 =	simm.s32 $_size__tile_overlayer_lowered;
	s7 =	simm.s32 $_tile_overlayer_lowered  }
0x9c: {  	s22 =	simm.s32 $0x1BFF;
	s21 =	sshll.u32 s7, $0x1;
	s4 =	sadd.s32 s5, s19  }
0x9d: {  	s8 =	simm.s32 $0x0;
	s20 =	sshll.u32 s6, $0x1;
	s6 =	sadd.s32 s21, s4  }
0x9e: {  	[timem:s8], [sflag:s22] =	dma.local [hbm:s6], s20  }
0x9f: {  	_ =	swait.ge [sflag:s22], s20  }
0xa0: {  	s5 =	ssub.s32 $0x0, s20;
	[sflag:s22] =	ssyncset.done $0x0  }
0xa1: {  	[sflag:s22] =	ssyncadd.s32 s5;
	_ =	sdelay $0x1  }
0xa2: {  	s23 =	simm.s32 $0x1B8B  }
0xa3: {  	_ =	swait.ge [sflag:s23], $0x1  }
0xa4: {  	[sflag:s23] =	ssyncset.done $0x0  }
0xa5: {  	s25 =	simm.s32 $0x1B8E;
	s24 =	sld [smem:$0x3FFE];
	[sflag:s23] =	ssyncadd.s32 $0xFFFFFFFF  }
0xa6: {  	s26 =	simm.s32 $execute0_lowered;
	[smem:$0x3FD2] =	sst s25  }
0xa7: {  	s6 =	sshll.u32 s26, $0x1;
	_ =	strace $0x80000046;
	[dreg:$0x1] =	wrdreg $0xFFFFFFFF  }
0xa8: {  	s28 =	simm.s32 $_size_execute0_lowered;
	s4 =	sadd.s32 s4, s6;
	[dreg:$0x0] =	wrdreg $0x0  }
0xa9: {  	s6 =	sshll.u32 s28, $0x1;
	[dreg:$0x2] =	wrdreg s4  }
0xaa: {  	[dreg:$0x3] =	wrdreg s6  }
0xab: {  	[dreg:$0x4] =	wrdreg $0xC0  }
0xac: {  	_ =	task [dreg:s8], $0x5FFFF  }
0xad: {  	[dreg:$0x1] =	wrdreg $0xFFFFFFFF  }
0xae: {  	[dreg:$0x0] =	wrdreg $0x60  }
0xaf: {  	[dreg:$0x2] =	wrdreg s2  }
0xb0: {  	[dreg:$0x3] =	wrdreg s24  }
0xb1: {  	[dreg:$0x4] =	wrdreg s18  }
0xb2: {  	[dreg:$0x5] =	wrdreg $0x9  }
0xb3: {  	_ =	task.clear_ibuf [dreg:s8], $0x6FFFF;
	_ =	strace $0x90000046  }
0xb4: {  	s29 =	simm.s32 $0x9;
	_ =	strace $0x80000048  }
0xb5: {  	_ =	swait.ge [sflag:s29], $0x1  }
0xb6: {  	[sflag:s29] =	ssyncadd.s32 $0xFFFFFFFF  }
0xb7: {  	_ =	strace $0x90000048  }
0xb8: {  	_ =	sfence  }
0xb9: {  	s30 =	sld [smem:$0x0];
	_ =	sdelay $0x2  }
0xba: {  	s31 =	sshll.u32 s1, $0xD;
	s1 =	sshrl.u32 s1, $0x2  }
0xbb: {  	s3 =	sand.u32 $0x4000, s31;
	s1 =	sadd.s32 s1, s30  }
0xbc: {  	s0 =	sor.u32 s3, s0;
	s1 =	sshll.u32 s1, $0x11  }
0xbd: {  	s0 =	sor.u32 s1, s0  }
0xbe: {  	s0 =	sadd.s32 $0x8F2B, s0  }
0xbf: {  	[sflag:s0] =	ssyncadd.remote.s32 $0x1  }
0xc0: {  	_ =	sfence.sel $0xFFFF  }
0xc1: {  	[dreg:$0x0] =	wrdreg $0xFFFFFFFF;
	(pc) =	sbr.abs _section_cstart, $3  }
0xc2: {  	[dreg:$0x1] =	wrdreg $0xFFFFFFFF  }
0xc3: {  	_ =	task.clear_ibuf [dreg:s8], $0x2FFFF;
	_ =	strace $0x9FFFFFFF  }
0xc4: {  	(tm) =	ssettm $0x7FFFFFFF  }
0xc5: {  	_ =	shalt  }
tec
execute0_lowered:
.L_overlay_start_1:
0x0: {  	(tag) =	ssettag $0x1  }
0x1: {  	s4 =	stileid.u32  }
0x2: {  	p0 =	sgt.u32 s4, $0x7  }
.Ltmp0:
0x3: {  	_ = 	snop;
	(pc) =	sbr.rel @p0 .LBB2_5-.Ltmp0, $4  }
0x4: {  	s1 =	rddreg [dreg:$0x0]  }
0x5: {  	s2 =	rddreg [dreg:$0x1];
	s3 =	simm.s32 $0x0  }
0x6: {  	[smem:$0x7FF] =	sst s3  }
0x7: {  	s0 =	rddreg [dreg:$0x2];
	_ =	strace $0x80000047  }
0x8: {  	s4 =	srdreg.scid;
	s5 =	stileid.u32;
	s14 =	sadd.s32 $0x200, s2  }
0x9: {  	s6 =	sadd.s32 $0x300, s1;
	s7 =	sadd.s32 $0x400, s1;
	s8 =	sadd.s32 $0x500, s1  }
0xa: {  	s9 =	sadd.s32 $0x600, s1;
	s16 =	simm.s32 $0x80;
	s18 =	simm.s32 $0x1080  }
0xb: {  	s19 =	simm.s32 $0x1880;
	s20 =	simm.s32 $0x2080;
	s21 =	simm.s32 $0x2880  }
0xc: {  	s22 =	simm.s32 $0x3080;
	s23 =	simm.s32 $0x3880;
	s24 =	simm.s32 $0x4080  }
0xd: {  	s28 =	simm.s32 $0x4480;
	s10 =	sand.u32 $0x1, s4;
	s25 =	sshll.u32 s5, $0x1  }
0xe: {  	s29 =	simm.s32 $0x0;
	s26 =	sshll.u32 s5, $0xC;
	s13 =	sor.u32 s10, s25  }
0xf: {  	s5 =	sadd.s32 $0x200, s1;
	s15 =	ssub.s32 $0x2, s10;
	s11 =	sshll.u32 s13, $0x7  }
0x10: {  	s10 =	sadd.s32 $0x700, s1;
	s25 =	simm.s32 $0x1;
	s4 =	sor.u32 s26, s11  }
0x11: {  	s31 =	sshrl.u32 s15, $0x1;
	s13 =	sadd.s32 s14, s13;
	s4 =	sand.u32 $0x4380, s4  }
0x12: {  	v0 =	vlaneseq.u32;
	s11 =	sadd.s32 s0, s11;
	s0 =	ssub.s32 s15, s31;
	s4 =	sshrl.u32 s4, $0x3  }
0x13: {  	v1 =	vshrl.u32 v0, $0x3;
	s15 =	simm.s32 $0x2;
	s26 =	simm.s32 $0x400;
	s30 =	sadd.s32 s4, s2  }
0x14: {  	vm0 =	vmmov $0xffff;
	v0 =	vand.u32 $0x7, v0;
	v1 =	vmul.u32 $0x8, v1;
	s14 =	smax.u32 s0, $0x1;
	s4 =	sadd.s32 $0x100, s1;
	s12 =	sadd.s32 $0x400, s30  }
.LBB2_2:
0x15: {  	[tilespmem:s3], [sflag:$0x2] =	stream.linear.gather [hbm4b:s13+s3], $0x8, $0x38;
	[tilespmem:$0x4C80] =	vst v63  }
0x16: {  	_ =	swait.ge [sflag:s15], $0x8  }
0x17: {  	[sflag:s15] =	ssyncset.done $0x0  }
0x18: {  	[sflag:s15] =	ssyncadd.s32 $0xFFFFFFF8  }
0x19: {  	v2 =	vld.msk [tilespmem:$0x0], $0xff;
	_ =	sdelay $0x4  }
0x1a: {  	v3 =	vshll.u32 v2, $0x4  }
0x1b: {  	v2 =	vand.u32 $0x7, v2;
	v3 =	vand.u32 $0xFFFFFF80, v3  }
0x1c: {  	v2 =	vor.u32 v2, v3  }
0x1d: {  	v2 =	vperm.xlane v2, v0;
	_ =	sdelay $0x1  }
0x1e: {  	v2 =	vadd.s32 v1, v2;
	_ =	sdelay $0x4  }
0x1f: {  	[tilespmem:s16], [sflag:$0x1] =	stream.indirect_vreg.gather [hbm4b:s1+s3], $0x80, v2, vm0, $0xb8;
	[tilespmem:$0x4C80] =	vst v63  }
0x20: {  	s0 =	simm.s32 $0x880  }
0x21: {  	[tilespmem:s0], [sflag:$0x1] =	stream.indirect_vreg.gather [hbm4b:s4+s3], $0x80, v2, vm0, $0xb8;
	[tilespmem:$0x4C80] =	vst v63  }
0x22: {  	_ = 	snop  }
0x23: {  	[tilespmem:s18], [sflag:$0x1] =	stream.indirect_vreg.gather [hbm4b:s5+s3], $0x80, v2, vm0, $0xb8;
	[tilespmem:$0x4C80] =	vst v63  }
0x24: {  	_ = 	snop  }
0x25: {  	[tilespmem:s19], [sflag:$0x1] =	stream.indirect_vreg.gather [hbm4b:s6+s3], $0x80, v2, vm0, $0xb8;
	[tilespmem:$0x4C80] =	vst v63  }
0x26: {  	_ = 	snop  }
0x27: {  	[tilespmem:s20], [sflag:$0x1] =	stream.indirect_vreg.gather [hbm4b:s7+s3], $0x80, v2, vm0, $0xb8;
	[tilespmem:$0x4C80] =	vst v63  }
0x28: {  	_ = 	snop  }
0x29: {  	[tilespmem:s21], [sflag:$0x1] =	stream.indirect_vreg.gather [hbm4b:s8+s3], $0x80, v2, vm0, $0xb8;
	[tilespmem:$0x4C80] =	vst v63  }
0x2a: {  	_ = 	snop  }
0x2b: {  	[tilespmem:s22], [sflag:$0x1] =	stream.indirect_vreg.gather [hbm4b:s9+s3], $0x80, v2, vm0, $0xb8;
	[tilespmem:$0x4C80] =	vst v63  }
0x2c: {  	_ = 	snop  }
0x2d: {  	[tilespmem:s23], [sflag:$0x1] =	stream.indirect_vreg.gather [hbm4b:s10+s3], $0x80, v2, vm0, $0xb8;
	[tilespmem:$0x4C80] =	vst v63  }
0x2e: {  	_ = 	snop  }
0x2f: {  	[tilespmem:s24], [sflag:$0x2] =	stream.linear.gather [hbm4b:s11+s3], $0x400, $0x38;
	[tilespmem:$0x4C80] =	vst v63  }
0x30: {  	_ =	swait.ge [sflag:s15], $0x400  }
0x31: {  	[sflag:s15] =	ssyncset.done $0x0  }
0x32: {  	[sflag:s15] =	ssyncadd.s32 $0xFFFFFC00  }
0x33: {  	_ =	swait.ge [sflag:s25], $0x4000  }
0x34: {  	[sflag:s25] =	ssyncset.done $0x0  }
0x35: {  	s30 =	simm.s32 $0x280;
	[sflag:s25] =	ssyncadd.s32 $0xFFFFC000  }
0x36: {  	v2 =	vld [tilespmem:s30+$0xFFFFFE00]  }
0x37: {  	v3 =	vld [tilespmem:$0x4080]  }
0x38: {  	v4 =	vld [tilespmem:$0x4100]  }
0x39: {  	v5 =	vld [tilespmem:s30+$0xFFFFFE80]  }
0x3a: {  	v6 =	vld [tilespmem:s30+$0xFFFFFF00]  }
0x3b: {  	v7 =	vld [tilespmem:$0x4180]  }
0x3c: {  	v8 =	vld [tilespmem:$0x4200];
	v2 =	vmul.f32 v2, v3  }
0x3d: {  	v3 =	vld [tilespmem:s30+$0xFFFFFF80]  }
0x3e: {  	v24 =	vld [tilespmem:s30+$0x0];
	v4 =	vmul.f32 v5, v4;
	v2 =	vadd.f32 $0.0e+00, v2  }
0x3f: {  	v9 =	vld [tilespmem:$0x4280]  }
0x40: {  	v26 =	vld [tilespmem:s30+$0x80];
	v25 =	vmul.f32 v6, v7;
	v2 =	vadd.f32 v4, v2  }
0x41: {  	v27 =	vld [tilespmem:$0x4300]  }
0x42: {  	v28 =	vld [tilespmem:s30+$0x100];
	v3 =	vmul.f32 v3, v8;
	v2 =	vadd.f32 v25, v2  }
0x43: {  	v29 =	vld [tilespmem:$0x4380]  }
0x44: {  	v30 =	vld [tilespmem:s30+$0x180];
	v2 =	vadd.f32 v3, v2;
	v3 =	vmul.f32 v24, v9  }
0x45: {  	v31 =	vld [tilespmem:$0x4400]  }
0x46: {  	v2 =	vadd.f32 v3, v2;
	v3 =	vmul.f32 v26, v27;
	_ =	sdelay $0x1  }
0x47: {  	v2 =	vadd.f32 v3, v2;
	v3 =	vmul.f32 v28, v29;
	_ =	sdelay $0x1  }
0x48: {  	v2 =	vadd.f32 v3, v2;
	v3 =	vmul.f32 v30, v31;
	_ =	sdelay $0x1  }
0x49: {  	v2 =	vadd.f32 v3, v2  }
0x4a: {  	s31 =	simm.s32 $0x44C0  }
0x4b: {  	[tilespmem:s31+$0xFFFFFFC0] =	vst v2  }
0x4c: {  	v2 =	vld [tilespmem:$0x4080]  }
0x4d: {  	v3 =	vld [tilespmem:s30+$0xFFFFFE10]  }
0x4e: {  	v32 =	vld [tilespmem:s30+$0xFFFFFE90]  }
0x4f: {  	v33 =	vld [tilespmem:$0x4100]  }
0x50: {  	v34 =	vld [tilespmem:s30+$0xFFFFFF10]  }
0x51: {  	v35 =	vld [tilespmem:$0x4180]  }
0x52: {  	v36 =	vld [tilespmem:$0x4200];
	v2 =	vmul.f32 v3, v2  }
0x53: {  	v3 =	vld [tilespmem:s30+$0xFFFFFF90]  }
0x54: {  	v37 =	vld [tilespmem:s30+$0x10];
	v4 =	vmul.f32 v32, v33;
	v2 =	vadd.f32 $0.0e+00, v2  }
0x55: {  	v38 =	vld [tilespmem:$0x4280]  }
0x56: {  	v40 =	vld [tilespmem:s30+$0x90];
	v39 =	vmul.f32 v34, v35;
	v2 =	vadd.f32 v4, v2  }
0x57: {  	v41 =	vld [tilespmem:$0x4300]  }
0x58: {  	v42 =	vld [tilespmem:s30+$0x110];
	v3 =	vmul.f32 v3, v36;
	v2 =	vadd.f32 v39, v2  }
0x59: {  	v43 =	vld [tilespmem:$0x4380]  }
0x5a: {  	v44 =	vld [tilespmem:s30+$0x190];
	v2 =	vadd.f32 v3, v2;
	v3 =	vmul.f32 v37, v38  }
0x5b: {  	v45 =	vld [tilespmem:$0x4400]  }
0x5c: {  	v2 =	vadd.f32 v3, v2;
	v3 =	vmul.f32 v40, v41;
	_ =	sdelay $0x1  }
0x5d: {  	v2 =	vadd.f32 v3, v2;
	v3 =	vmul.f32 v42, v43;
	_ =	sdelay $0x1  }
0x5e: {  	v2 =	vadd.f32 v3, v2;
	v3 =	vmul.f32 v44, v45;
	_ =	sdelay $0x1  }
0x5f: {  	v2 =	vadd.f32 v3, v2;
	_ =	sdelay $0x1  }
0x60: {  	[tilespmem:s31+$0xFFFFFFD0] =	vst v2  }
0x61: {  	v2 =	vld [tilespmem:$0x4080]  }
0x62: {  	v3 =	vld [tilespmem:s30+$0xFFFFFE20]  }
0x63: {  	v46 =	vld [tilespmem:s30+$0xFFFFFEA0]  }
0x64: {  	v47 =	vld [tilespmem:$0x4100]  }
0x65: {  	v48 =	vld [tilespmem:s30+$0xFFFFFF20]  }
0x66: {  	v49 =	vld [tilespmem:$0x4180]  }
0x67: {  	v50 =	vld [tilespmem:$0x4200];
	v2 =	vmul.f32 v3, v2  }
0x68: {  	v3 =	vld [tilespmem:s30+$0xFFFFFFA0]  }
0x69: {  	v51 =	vld [tilespmem:s30+$0x20];
	v4 =	vmul.f32 v46, v47;
	v2 =	vadd.f32 $0.0e+00, v2  }
0x6a: {  	v52 =	vld [tilespmem:$0x4280]  }
0x6b: {  	v54 =	vld [tilespmem:s30+$0xA0];
	v53 =	vmul.f32 v48, v49;
	v2 =	vadd.f32 v4, v2  }
0x6c: {  	v55 =	vld [tilespmem:$0x4300]  }
0x6d: {  	v56 =	vld [tilespmem:s30+$0x120];
	v3 =	vmul.f32 v3, v50;
	v2 =	vadd.f32 v53, v2  }
0x6e: {  	v57 =	vld [tilespmem:$0x4380]  }
0x6f: {  	v58 =	vld [tilespmem:s30+$0x1A0];
	v2 =	vadd.f32 v3, v2;
	v3 =	vmul.f32 v51, v52  }
0x70: {  	v59 =	vld [tilespmem:$0x4400]  }
0x71: {  	v2 =	vadd.f32 v3, v2;
	v3 =	vmul.f32 v54, v55;
	_ =	sdelay $0x1  }
0x72: {  	v2 =	vadd.f32 v3, v2;
	v3 =	vmul.f32 v56, v57;
	_ =	sdelay $0x1  }
0x73: {  	v2 =	vadd.f32 v3, v2;
	v3 =	vmul.f32 v58, v59;
	_ =	sdelay $0x1  }
0x74: {  	v2 =	vadd.f32 v3, v2;
	_ =	sdelay $0x1  }
0x75: {  	[tilespmem:s31+$0xFFFFFFE0] =	vst v2  }
0x76: {  	v2 =	vld [tilespmem:$0x4080]  }
0x77: {  	v3 =	vld [tilespmem:s30+$0xFFFFFE30]  }
0x78: {  	v60 =	vld [tilespmem:s30+$0xFFFFFEB0]  }
0x79: {  	v61 =	vld [tilespmem:$0x4100]  }
0x7a: {  	v62 =	vld [tilespmem:$0x4180]  }
0x7b: {  	v63 =	vld [tilespmem:s30+$0xFFFFFF30]  }
0x7c: {  	v12 =	vld [tilespmem:$0x4200];
	v2 =	vmul.f32 v3, v2  }
0x7d: {  	v3 =	vld [tilespmem:s30+$0xFFFFFFB0]  }
0x7e: {  	v13 =	vld [tilespmem:s30+$0x30];
	v4 =	vmul.f32 v60, v61;
	v2 =	vadd.f32 $0.0e+00, v2  }
0x7f: {  	v14 =	vld [tilespmem:$0x4280]  }
0x80: {  	v16 =	vld [tilespmem:s30+$0xB0];
	v15 =	vmul.f32 v63, v62;
	v2 =	vadd.f32 v4, v2  }
0x81: {  	v17 =	vld [tilespmem:$0x4300]  }
0x82: {  	v18 =	vld [tilespmem:s30+$0x130];
	v3 =	vmul.f32 v3, v12;
	v2 =	vadd.f32 v15, v2  }
0x83: {  	v19 =	vld [tilespmem:$0x4380]  }
0x84: {  	v20 =	vld [tilespmem:s30+$0x1B0];
	v2 =	vadd.f32 v3, v2;
	v3 =	vmul.f32 v13, v14  }
0x85: {  	v21 =	vld [tilespmem:$0x4400]  }
0x86: {  	v2 =	vadd.f32 v3, v2;
	v3 =	vmul.f32 v16, v17;
	_ =	sdelay $0x1  }
0x87: {  	v2 =	vadd.f32 v3, v2;
	v3 =	vmul.f32 v18, v19;
	_ =	sdelay $0x1  }
0x88: {  	v2 =	vadd.f32 v3, v2;
	v3 =	vmul.f32 v20, v21;
	_ =	sdelay $0x1  }
0x89: {  	v2 =	vadd.f32 v3, v2;
	_ =	sdelay $0x1  }
0x8a: {  	[tilespmem:s31+$0xFFFFFFF0] =	vst v2  }
0x8b: {  	v2 =	vld [tilespmem:$0x4080]  }
0x8c: {  	v3 =	vld [tilespmem:s30+$0xFFFFFE40]  }
0x8d: {  	v22 =	vld [tilespmem:s30+$0xFFFFFEC0]  }
0x8e: {  	v23 =	vld [tilespmem:$0x4100]  }
0x8f: {  	v24 =	vld [tilespmem:s30+$0xFFFFFF40]  }
0x90: {  	v25 =	vld [tilespmem:$0x4180]  }
0x91: {  	v26 =	vld [tilespmem:$0x4200];
	v2 =	vmul.f32 v3, v2  }
0x92: {  	v3 =	vld [tilespmem:s30+$0xFFFFFFC0]  }
0x93: {  	v27 =	vld [tilespmem:s30+$0x40];
	v4 =	vmul.f32 v22, v23;
	v2 =	vadd.f32 $0.0e+00, v2  }
0x94: {  	v28 =	vld [tilespmem:$0x4280]  }
0x95: {  	v30 =	vld [tilespmem:s30+$0xC0];
	v29 =	vmul.f32 v24, v25;
	v2 =	vadd.f32 v4, v2  }
0x96: {  	v31 =	vld [tilespmem:$0x4300]  }
0x97: {  	v32 =	vld [tilespmem:s30+$0x140];
	v3 =	vmul.f32 v3, v26;
	v2 =	vadd.f32 v29, v2  }
0x98: {  	v33 =	vld [tilespmem:$0x4380]  }
0x99: {  	v34 =	vld [tilespmem:s30+$0x1C0];
	v2 =	vadd.f32 v3, v2;
	v3 =	vmul.f32 v27, v28  }
0x9a: {  	v35 =	vld [tilespmem:$0x4400]  }
0x9b: {  	v2 =	vadd.f32 v3, v2;
	v3 =	vmul.f32 v30, v31;
	_ =	sdelay $0x1  }
0x9c: {  	v2 =	vadd.f32 v3, v2;
	v3 =	vmul.f32 v32, v33;
	_ =	sdelay $0x1  }
0x9d: {  	v2 =	vadd.f32 v3, v2;
	v3 =	vmul.f32 v34, v35;
	_ =	sdelay $0x1  }
0x9e: {  	v2 =	vadd.f32 v3, v2;
	_ =	sdelay $0x1  }
0x9f: {  	[tilespmem:s31+$0x0] =	vst v2  }
0xa0: {  	v2 =	vld [tilespmem:$0x4080]  }
0xa1: {  	v3 =	vld [tilespmem:s30+$0xFFFFFE50]  }
0xa2: {  	v36 =	vld [tilespmem:$0x4100]  }
0xa3: {  	v37 =	vld [tilespmem:s30+$0xFFFFFED0]  }
0xa4: {  	v38 =	vld [tilespmem:$0x4180]  }
0xa5: {  	v39 =	vld [tilespmem:s30+$0xFFFFFF50]  }
0xa6: {  	v40 =	vld [tilespmem:s30+$0xFFFFFFD0];
	v2 =	vmul.f32 v3, v2  }
0xa7: {  	v3 =	vld [tilespmem:$0x4200]  }
0xa8: {  	v41 =	vld [tilespmem:$0x4280];
	v4 =	vmul.f32 v37, v36;
	v2 =	vadd.f32 $0.0e+00, v2  }
0xa9: {  	v42 =	vld [tilespmem:s30+$0x50]  }
0xaa: {  	v44 =	vld [tilespmem:$0x4300];
	v43 =	vmul.f32 v39, v38;
	v2 =	vadd.f32 v4, v2  }
0xab: {  	v45 =	vld [tilespmem:s30+$0xD0]  }
0xac: {  	v46 =	vld [tilespmem:$0x4380];
	v3 =	vmul.f32 v40, v3;
	v2 =	vadd.f32 v43, v2  }
0xad: {  	v47 =	vld [tilespmem:s30+$0x150]  }
0xae: {  	v48 =	vld [tilespmem:$0x4400];
	v2 =	vadd.f32 v3, v2;
	v3 =	vmul.f32 v42, v41  }
0xaf: {  	v49 =	vld [tilespmem:s30+$0x1D0]  }
0xb0: {  	v2 =	vadd.f32 v3, v2;
	v3 =	vmul.f32 v45, v44;
	_ =	sdelay $0x1  }
0xb1: {  	v2 =	vadd.f32 v3, v2;
	v3 =	vmul.f32 v47, v46;
	_ =	sdelay $0x1  }
0xb2: {  	v2 =	vadd.f32 v3, v2;
	v3 =	vmul.f32 v49, v48;
	_ =	sdelay $0x1  }
0xb3: {  	v2 =	vadd.f32 v3, v2;
	_ =	sdelay $0x1  }
0xb4: {  	[tilespmem:s31+$0x10] =	vst v2  }
0xb5: {  	v2 =	vld [tilespmem:$0x4080]  }
0xb6: {  	v3 =	vld [tilespmem:s30+$0xFFFFFE60]  }
0xb7: {  	v50 =	vld [tilespmem:s30+$0xFFFFFEE0]  }
0xb8: {  	v51 =	vld [tilespmem:$0x4100]  }
0xb9: {  	v52 =	vld [tilespmem:$0x4180]  }
0xba: {  	v53 =	vld [tilespmem:s30+$0xFFFFFF60]  }
0xbb: {  	v54 =	vld [tilespmem:$0x4200];
	v2 =	vmul.f32 v3, v2  }
0xbc: {  	v3 =	vld [tilespmem:s30+$0xFFFFFFE0]  }
0xbd: {  	v55 =	vld [tilespmem:$0x4280];
	v4 =	vmul.f32 v50, v51;
	v2 =	vadd.f32 $0.0e+00, v2  }
0xbe: {  	v56 =	vld [tilespmem:s30+$0x60]  }
0xbf: {  	v58 =	vld [tilespmem:$0x4300];
	v57 =	vmul.f32 v53, v52;
	v2 =	vadd.f32 v4, v2  }
0xc0: {  	v59 =	vld [tilespmem:s30+$0xE0]  }
0xc1: {  	v60 =	vld [tilespmem:$0x4380];
	v3 =	vmul.f32 v3, v54;
	v2 =	vadd.f32 v57, v2  }
0xc2: {  	v61 =	vld [tilespmem:s30+$0x160]  }
0xc3: {  	v62 =	vld [tilespmem:$0x4400];
	v2 =	vadd.f32 v3, v2;
	v3 =	vmul.f32 v56, v55  }
0xc4: {  	v63 =	vld [tilespmem:s30+$0x1E0]  }
0xc5: {  	v2 =	vadd.f32 v3, v2;
	v3 =	vmul.f32 v59, v58;
	_ =	sdelay $0x1  }
0xc6: {  	v2 =	vadd.f32 v3, v2;
	v3 =	vmul.f32 v61, v60;
	_ =	sdelay $0x1  }
0xc7: {  	v2 =	vadd.f32 v3, v2;
	v3 =	vmul.f32 v63, v62;
	_ =	sdelay $0x1  }
0xc8: {  	s17 =	simm.s32 $0x0;
	s2 =	simm.s32 $0x280;
	s0 =	simm.s32 $0x44C0;
	v2 =	vadd.f32 v3, v2  }
.LBB2_3:
0xc9: {  	s17 =	sadd.s32 $0x8, s17;
	s30 =	sadd.s32 $0x400, s30;
	s31 =	sadd.s32 $0x80, s31  }
0xca: {  	p0 =	slt.u32 s17, $0x78;
	[tilespmem:s0+$0x20] =	vst v2  }
0xcb: {  	v2 =	vld [tilespmem:$0x4080]  }
0xcc: {  	v3 =	vld [tilespmem:s2+$0xFFFFFE70]  }
0xcd: {  	v4 =	vld [tilespmem:$0x4100]  }
0xce: {  	v5 =	vld [tilespmem:s2+$0xFFFFFEF0]  }
0xcf: {  	v6 =	vld [tilespmem:$0x4180]  }
0xd0: {  	v7 =	vld [tilespmem:s2+$0xFFFFFF70]  }
0xd1: {  	v2 =	vmul.f32 v3, v2;
	v3 =	vld [tilespmem:$0x4200]  }
0xd2: {  	v8 =	vld [tilespmem:s2+$0xFFFFFFF0]  }
0xd3: {  	v2 =	vadd.f32 $0.0e+00, v2;
	v4 =	vmul.f32 v5, v4;
	v5 =	vld [tilespmem:$0x4280]  }
0xd4: {  	v9 =	vld [tilespmem:s2+$0x70]  }
0xd5: {  	v2 =	vadd.f32 v4, v2;
	v4 =	vmul.f32 v7, v6;
	v6 =	vld [tilespmem:$0x4300]  }
0xd6: {  	v7 =	vld [tilespmem:s2+$0xF0]  }
0xd7: {  	v2 =	vadd.f32 v4, v2;
	v3 =	vmul.f32 v8, v3;
	v4 =	vld [tilespmem:$0x4380]  }
0xd8: {  	v8 =	vld [tilespmem:s2+$0x170]  }
0xd9: {  	v2 =	vadd.f32 v3, v2;
	v3 =	vmul.f32 v9, v5;
	v5 =	vld [tilespmem:$0x4400]  }
0xda: {  	v9 =	vld [tilespmem:s2+$0x1F0];
	s2 =	smov.u32 s30  }
0xdb: {  	v2 =	vadd.f32 v3, v2;
	v3 =	vmul.f32 v7, v6;
	_ =	sdelay $0x1  }
0xdc: {  	v2 =	vadd.f32 v3, v2;
	v3 =	vmul.f32 v8, v4;
	_ =	sdelay $0x1  }
0xdd: {  	v2 =	vadd.f32 v3, v2;
	v3 =	vmul.f32 v9, v5;
	_ =	sdelay $0x1  }
0xde: {  	v2 =	vadd.f32 v3, v2;
	_ =	sdelay $0x1  }
0xdf: {  	[tilespmem:s0+$0x30] =	vst v2;
	s0 =	smov.u32 s31  }
0xe0: {  	v2 =	vld [tilespmem:$0x4100]  }
0xe1: {  	v3 =	vld [tilespmem:s30+$0xFFFFFE00]  }
0xe2: {  	v4 =	vld [tilespmem:$0x4080];
	_ =	sdelay $0x1  }
0xe3: {  	v5 =	vld [tilespmem:s30+$0xFFFFFE80]  }
0xe4: {  	v6 =	vld [tilespmem:s30+$0xFFFFFF00]  }
0xe5: {  	v7 =	vld [tilespmem:$0x4180]  }
0xe6: {  	v3 =	vmul.f32 v3, v4;
	v4 =	vld [tilespmem:s30+$0xFFFFFF80]  }
0xe7: {  	v8 =	vld [tilespmem:$0x4200]  }
0xe8: {  	v3 =	vadd.f32 $0.0e+00, v3;
	v2 =	vmul.f32 v5, v2;
	v5 =	vld [tilespmem:s30+$0x0]  }
0xe9: {  	v9 =	vld [tilespmem:$0x4280]  }
0xea: {  	v2 =	vadd.f32 v2, v3;
	v3 =	vmul.f32 v6, v7;
	v6 =	vld [tilespmem:s30+$0x80]  }
0xeb: {  	v7 =	vld [tilespmem:$0x4300]  }
0xec: {  	v2 =	vadd.f32 v3, v2;
	v3 =	vmul.f32 v4, v8;
	v4 =	vld [tilespmem:s30+$0x100]  }
0xed: {  	v8 =	vld [tilespmem:$0x4380]  }
0xee: {  	v2 =	vadd.f32 v3, v2;
	v3 =	vmul.f32 v5, v9;
	v5 =	vld [tilespmem:s30+$0x180]  }
0xef: {  	v9 =	vld [tilespmem:$0x4400]  }
0xf0: {  	v2 =	vadd.f32 v3, v2;
	v3 =	vmul.f32 v6, v7;
	_ =	sdelay $0x1  }
0xf1: {  	v2 =	vadd.f32 v3, v2;
	v3 =	vmul.f32 v4, v8;
	_ =	sdelay $0x1  }
0xf2: {  	v2 =	vadd.f32 v3, v2;
	v3 =	vmul.f32 v5, v9;
	_ =	sdelay $0x1  }
0xf3: {  	v2 =	vadd.f32 v3, v2;
	_ =	sdelay $0x1  }
0xf4: {  	[tilespmem:s31+$0xFFFFFFC0] =	vst v2  }
0xf5: {  	v2 =	vld [tilespmem:$0x4080]  }
0xf6: {  	v3 =	vld [tilespmem:s30+$0xFFFFFE10]  }
0xf7: {  	v4 =	vld [tilespmem:s30+$0xFFFFFE90]  }
0xf8: {  	v5 =	vld [tilespmem:$0x4100]  }
0xf9: {  	v6 =	vld [tilespmem:s30+$0xFFFFFF10]  }
0xfa: {  	v7 =	vld [tilespmem:$0x4180]  }
0xfb: {  	v2 =	vmul.f32 v3, v2;
	v3 =	vld [tilespmem:s30+$0xFFFFFF90]  }
0xfc: {  	v8 =	vld [tilespmem:$0x4200]  }
0xfd: {  	v2 =	vadd.f32 $0.0e+00, v2;
	v4 =	vmul.f32 v4, v5;
	v5 =	vld [tilespmem:s30+$0x10]  }
0xfe: {  	v9 =	vld [tilespmem:$0x4280]  }
0xff: {  	v2 =	vadd.f32 v4, v2;
	v4 =	vmul.f32 v6, v7;
	v6 =	vld [tilespmem:s30+$0x90]  }
0x100: {  	v7 =	vld [tilespmem:$0x4300]  }
0x101: {  	v2 =	vadd.f32 v4, v2;
	v3 =	vmul.f32 v3, v8;
	v4 =	vld [tilespmem:s30+$0x110]  }
0x102: {  	v8 =	vld [tilespmem:$0x4380]  }
0x103: {  	v2 =	vadd.f32 v3, v2;
	v3 =	vmul.f32 v5, v9;
	v5 =	vld [tilespmem:s30+$0x190]  }
0x104: {  	v9 =	vld [tilespmem:$0x4400]  }
0x105: {  	v2 =	vadd.f32 v3, v2;
	v3 =	vmul.f32 v6, v7;
	_ =	sdelay $0x1  }
0x106: {  	v2 =	vadd.f32 v3, v2;
	v3 =	vmul.f32 v4, v8;
	_ =	sdelay $0x1  }
0x107: {  	v2 =	vadd.f32 v3, v2;
	v3 =	vmul.f32 v5, v9;
	_ =	sdelay $0x1  }
0x108: {  	v2 =	vadd.f32 v3, v2;
	_ =	sdelay $0x1  }
0x109: {  	[tilespmem:s31+$0xFFFFFFD0] =	vst v2  }
0x10a: {  	v2 =	vld [tilespmem:$0x4080]  }
0x10b: {  	v3 =	vld [tilespmem:s30+$0xFFFFFE20]  }
0x10c: {  	v4 =	vld [tilespmem:s30+$0xFFFFFEA0]  }
0x10d: {  	v5 =	vld [tilespmem:$0x4100]  }
0x10e: {  	v6 =	vld [tilespmem:s30+$0xFFFFFF20]  }
0x10f: {  	v7 =	vld [tilespmem:$0x4180]  }
0x110: {  	v2 =	vmul.f32 v3, v2;
	v3 =	vld [tilespmem:s30+$0xFFFFFFA0]  }
0x111: {  	v8 =	vld [tilespmem:$0x4200]  }
0x112: {  	v2 =	vadd.f32 $0.0e+00, v2;
	v4 =	vmul.f32 v4, v5;
	v5 =	vld [tilespmem:s30+$0x20]  }
0x113: {  	v9 =	vld [tilespmem:$0x4280]  }
0x114: {  	v2 =	vadd.f32 v4, v2;
	v4 =	vmul.f32 v6, v7;
	v6 =	vld [tilespmem:s30+$0xA0]  }
0x115: {  	v7 =	vld [tilespmem:$0x4300]  }
0x116: {  	v2 =	vadd.f32 v4, v2;
	v3 =	vmul.f32 v3, v8;
	v4 =	vld [tilespmem:s30+$0x120]  }
0x117: {  	v8 =	vld [tilespmem:$0x4380]  }
0x118: {  	v2 =	vadd.f32 v3, v2;
	v3 =	vmul.f32 v5, v9;
	v5 =	vld [tilespmem:s30+$0x1A0]  }
0x119: {  	v9 =	vld [tilespmem:$0x4400]  }
0x11a: {  	v2 =	vadd.f32 v3, v2;
	v3 =	vmul.f32 v6, v7;
	_ =	sdelay $0x1  }
0x11b: {  	v2 =	vadd.f32 v3, v2;
	v3 =	vmul.f32 v4, v8;
	_ =	sdelay $0x1  }
0x11c: {  	v2 =	vadd.f32 v3, v2;
	v3 =	vmul.f32 v5, v9;
	_ =	sdelay $0x1  }
0x11d: {  	v2 =	vadd.f32 v3, v2;
	_ =	sdelay $0x1  }
0x11e: {  	[tilespmem:s31+$0xFFFFFFE0] =	vst v2  }
0x11f: {  	v2 =	vld [tilespmem:$0x4080]  }
0x120: {  	v3 =	vld [tilespmem:s30+$0xFFFFFE30]  }
0x121: {  	v4 =	vld [tilespmem:s30+$0xFFFFFEB0]  }
0x122: {  	v5 =	vld [tilespmem:$0x4100]  }
0x123: {  	v6 =	vld [tilespmem:$0x4180]  }
0x124: {  	v7 =	vld [tilespmem:s30+$0xFFFFFF30]  }
0x125: {  	v2 =	vmul.f32 v3, v2;
	v3 =	vld [tilespmem:s30+$0xFFFFFFB0]  }
0x126: {  	v8 =	vld [tilespmem:$0x4200]  }
0x127: {  	v2 =	vadd.f32 $0.0e+00, v2;
	v4 =	vmul.f32 v4, v5;
	v5 =	vld [tilespmem:s30+$0x30]  }
0x128: {  	v9 =	vld [tilespmem:$0x4280]  }
0x129: {  	v2 =	vadd.f32 v4, v2;
	v4 =	vmul.f32 v7, v6;
	v6 =	vld [tilespmem:s30+$0xB0]  }
0x12a: {  	v7 =	vld [tilespmem:$0x4300]  }
0x12b: {  	v2 =	vadd.f32 v4, v2;
	v3 =	vmul.f32 v3, v8;
	v4 =	vld [tilespmem:s30+$0x130]  }
0x12c: {  	v8 =	vld [tilespmem:$0x4380]  }
0x12d: {  	v2 =	vadd.f32 v3, v2;
	v3 =	vmul.f32 v5, v9;
	v5 =	vld [tilespmem:s30+$0x1B0]  }
0x12e: {  	v9 =	vld [tilespmem:$0x4400]  }
0x12f: {  	v2 =	vadd.f32 v3, v2;
	v3 =	vmul.f32 v6, v7;
	_ =	sdelay $0x1  }
0x130: {  	v2 =	vadd.f32 v3, v2;
	v3 =	vmul.f32 v4, v8;
	_ =	sdelay $0x1  }
0x131: {  	v2 =	vadd.f32 v3, v2;
	v3 =	vmul.f32 v5, v9;
	_ =	sdelay $0x1  }
0x132: {  	v2 =	vadd.f32 v3, v2;
	_ =	sdelay $0x1  }
0x133: {  	[tilespmem:s31+$0xFFFFFFF0] =	vst v2  }
0x134: {  	v2 =	vld [tilespmem:$0x4080]  }
0x135: {  	v3 =	vld [tilespmem:s30+$0xFFFFFE40]  }
0x136: {  	v4 =	vld [tilespmem:s30+$0xFFFFFEC0]  }
0x137: {  	v5 =	vld [tilespmem:$0x4100]  }
0x138: {  	v6 =	vld [tilespmem:s30+$0xFFFFFF40]  }
0x139: {  	v7 =	vld [tilespmem:$0x4180]  }
0x13a: {  	v2 =	vmul.f32 v3, v2;
	v3 =	vld [tilespmem:s30+$0xFFFFFFC0]  }
0x13b: {  	v8 =	vld [tilespmem:$0x4200]  }
0x13c: {  	v2 =	vadd.f32 $0.0e+00, v2;
	v4 =	vmul.f32 v4, v5;
	v5 =	vld [tilespmem:s30+$0x40]  }
0x13d: {  	v9 =	vld [tilespmem:$0x4280]  }
0x13e: {  	v2 =	vadd.f32 v4, v2;
	v4 =	vmul.f32 v6, v7;
	v6 =	vld [tilespmem:s30+$0xC0]  }
0x13f: {  	v7 =	vld [tilespmem:$0x4300]  }
0x140: {  	v2 =	vadd.f32 v4, v2;
	v3 =	vmul.f32 v3, v8;
	v4 =	vld [tilespmem:s30+$0x140]  }
0x141: {  	v8 =	vld [tilespmem:$0x4380]  }
0x142: {  	v2 =	vadd.f32 v3, v2;
	v3 =	vmul.f32 v5, v9;
	v5 =	vld [tilespmem:s30+$0x1C0]  }
0x143: {  	v9 =	vld [tilespmem:$0x4400]  }
0x144: {  	v2 =	vadd.f32 v3, v2;
	v3 =	vmul.f32 v6, v7;
	_ =	sdelay $0x1  }
0x145: {  	v2 =	vadd.f32 v3, v2;
	v3 =	vmul.f32 v4, v8;
	_ =	sdelay $0x1  }
0x146: {  	v2 =	vadd.f32 v3, v2;
	v3 =	vmul.f32 v5, v9;
	_ =	sdelay $0x1  }
0x147: {  	v2 =	vadd.f32 v3, v2;
	_ =	sdelay $0x1  }
0x148: {  	[tilespmem:s31+$0x0] =	vst v2  }
0x149: {  	v2 =	vld [tilespmem:$0x4080]  }
0x14a: {  	v3 =	vld [tilespmem:s30+$0xFFFFFE50]  }
0x14b: {  	v4 =	vld [tilespmem:$0x4100]  }
0x14c: {  	v5 =	vld [tilespmem:s30+$0xFFFFFED0]  }
0x14d: {  	v6 =	vld [tilespmem:$0x4180]  }
0x14e: {  	v7 =	vld [tilespmem:s30+$0xFFFFFF50]  }
0x14f: {  	v2 =	vmul.f32 v3, v2;
	v3 =	vld [tilespmem:$0x4200]  }
0x150: {  	v8 =	vld [tilespmem:s30+$0xFFFFFFD0]  }
0x151: {  	v2 =	vadd.f32 $0.0e+00, v2;
	v4 =	vmul.f32 v5, v4;
	v5 =	vld [tilespmem:$0x4280]  }
0x152: {  	v9 =	vld [tilespmem:s30+$0x50]  }
0x153: {  	v2 =	vadd.f32 v4, v2;
	v4 =	vmul.f32 v7, v6;
	v6 =	vld [tilespmem:$0x4300]  }
0x154: {  	v7 =	vld [tilespmem:s30+$0xD0]  }
0x155: {  	v2 =	vadd.f32 v4, v2;
	v3 =	vmul.f32 v8, v3;
	v4 =	vld [tilespmem:$0x4380]  }
0x156: {  	v8 =	vld [tilespmem:s30+$0x150]  }
0x157: {  	v2 =	vadd.f32 v3, v2;
	v3 =	vmul.f32 v9, v5;
	v5 =	vld [tilespmem:$0x4400]  }
0x158: {  	v9 =	vld [tilespmem:s30+$0x1D0]  }
0x159: {  	v2 =	vadd.f32 v3, v2;
	v3 =	vmul.f32 v7, v6;
	_ =	sdelay $0x1  }
0x15a: {  	v2 =	vadd.f32 v3, v2;
	v3 =	vmul.f32 v8, v4;
	_ =	sdelay $0x1  }
0x15b: {  	v2 =	vadd.f32 v3, v2;
	v3 =	vmul.f32 v9, v5;
	_ =	sdelay $0x1  }
0x15c: {  	v2 =	vadd.f32 v3, v2;
	_ =	sdelay $0x1  }
0x15d: {  	[tilespmem:s31+$0x10] =	vst v2  }
0x15e: {  	v2 =	vld [tilespmem:$0x4080]  }
0x15f: {  	v3 =	vld [tilespmem:s30+$0xFFFFFE60]  }
0x160: {  	v4 =	vld [tilespmem:s30+$0xFFFFFEE0]  }
0x161: {  	v5 =	vld [tilespmem:$0x4100]  }
0x162: {  	v6 =	vld [tilespmem:$0x4180]  }
0x163: {  	v7 =	vld [tilespmem:s30+$0xFFFFFF60]  }
0x164: {  	v2 =	vmul.f32 v3, v2;
	v3 =	vld [tilespmem:s30+$0xFFFFFFE0]  }
0x165: {  	v8 =	vld [tilespmem:$0x4200]  }
0x166: {  	v2 =	vadd.f32 $0.0e+00, v2;
	v4 =	vmul.f32 v4, v5;
	v5 =	vld [tilespmem:$0x4280]  }
0x167: {  	v9 =	vld [tilespmem:s30+$0x60]  }
0x168: {  	v2 =	vadd.f32 v4, v2;
	v4 =	vmul.f32 v7, v6;
	v6 =	vld [tilespmem:$0x4300]  }
0x169: {  	v7 =	vld [tilespmem:s30+$0xE0]  }
0x16a: {  	v2 =	vadd.f32 v4, v2;
	v3 =	vmul.f32 v3, v8;
	v4 =	vld [tilespmem:$0x4380]  }
0x16b: {  	v8 =	vld [tilespmem:s30+$0x160]  }
0x16c: {  	v2 =	vadd.f32 v3, v2;
	v3 =	vmul.f32 v9, v5;
	v5 =	vld [tilespmem:$0x4400]  }
0x16d: {  	v9 =	vld [tilespmem:s30+$0x1E0]  }
0x16e: {  	v2 =	vadd.f32 v3, v2;
	v3 =	vmul.f32 v7, v6;
	_ =	sdelay $0x1  }
.Ltmp1:
0x16f: {  	v2 =	vadd.f32 v3, v2;
	v3 =	vmul.f32 v8, v4;
	(pc) =	sbr.rel @p0 .LBB2_3-.Ltmp1, $3  }
0x170: {  	_ = 	snop  }
0x171: {  	v2 =	vadd.f32 v3, v2;
	v3 =	vmul.f32 v9, v5;
	_ =	sdelay $0x1  }
0x172: {  	v2 =	vadd.f32 v3, v2  }
0x173: {  	_ = 	snop  }
0x174: {  	[tilespmem:s0+$0x20] =	vst v2  }
0x175: {  	v2 =	vld [tilespmem:$0x4080]  }
0x176: {  	v3 =	vld [tilespmem:s2+$0xFFFFFE70]  }
0x177: {  	v4 =	vld [tilespmem:$0x4100]  }
0x178: {  	v5 =	vld [tilespmem:s2+$0xFFFFFEF0]  }
0x179: {  	v6 =	vld [tilespmem:$0x4180]  }
0x17a: {  	v7 =	vld [tilespmem:s2+$0xFFFFFF70]  }
0x17b: {  	v8 =	vld [tilespmem:s2+$0xFFFFFFF0];
	v2 =	vmul.f32 v3, v2  }
0x17c: {  	v3 =	vld [tilespmem:$0x4200]  }
0x17d: {  	v56 =	vld [tilespmem:$0x4280];
	v4 =	vmul.f32 v5, v4;
	v2 =	vadd.f32 $0.0e+00, v2  }
0x17e: {  	v9 =	vld [tilespmem:s2+$0x70]  }
0x17f: {  	v58 =	vld [tilespmem:$0x4300];
	v57 =	vmul.f32 v7, v6;
	v2 =	vadd.f32 v4, v2  }
0x180: {  	v59 =	vld [tilespmem:s2+$0xF0]  }
0x181: {  	v60 =	vld [tilespmem:$0x4380];
	v3 =	vmul.f32 v8, v3;
	v2 =	vadd.f32 v57, v2  }
0x182: {  	v61 =	vld [tilespmem:s2+$0x170]  }
0x183: {  	v62 =	vld [tilespmem:$0x4400];
	v2 =	vadd.f32 v3, v2;
	v3 =	vmul.f32 v9, v56  }
0x184: {  	v63 =	vld [tilespmem:s2+$0x1F0]  }
0x185: {  	v2 =	vadd.f32 v3, v2;
	v3 =	vmul.f32 v59, v58;
	_ =	sdelay $0x1  }
0x186: {  	v2 =	vadd.f32 v3, v2;
	v3 =	vmul.f32 v61, v60;
	_ =	sdelay $0x1  }
0x187: {  	v2 =	vadd.f32 v3, v2;
	v3 =	vmul.f32 v63, v62;
	_ =	sdelay $0x1  }
0x188: {  	s29 =	sadd.s32 $0x1, s29;
	v2 =	vadd.f32 v3, v2  }
0x189: {  	p0 =	sne.s32 s29, s14  }
.Ltmp2:
0x18a: {  	[tilespmem:s0+$0x30] =	vst v2;
	(pc) =	sbr.rel @p0 .LBB2_2-.Ltmp2, $4  }
0x18b: {  	[hbm4b:s12+s16] =	stream.strided.scatter [tilespmem:s28], [sflag:$0x2], $0x800, s26, s16, $0x38;
	[tilespmem:$0x4C80] =	vst v63  }
0x18c: {  	_ =	swait.ge [sflag:s15], $0x800  }
0x18d: {  	[sflag:s15] =	ssyncset.done $0x0  }
0x18e: {  	[sflag:s15] =	ssyncadd.s32 $0xFFFFF800  }
.LBB2_5:
0x18f: {  	_ =	sfence.sel $0x180000  }
0x190: {  	[bflag:$0x0] =	sbarrier.arrive $0xFFFF  }
0x191: {  	_ =	strace $0x90000047  }
0x192: {  	s0 =	stileid.u32;
	[bflag:$0x2] =	sbarrier.arrive $0xFFFF  }
0x193: {  	p0 =	sne.s32 s0, $0x0;
	s0 =	rddreg [dreg:$0x3]  }
0x194: {  	s0 =	sadd.s32 @!p0 $0x100000, s0  }
0x195: {  	[sflag:s0] =	ssyncadd.tile.s32 @!p0 $0x1;
	_ =	shalt  }
.Lfunc_end2:
_tile_overlayer_lowered:
.L_overlay_start_2:
0x196: {  	(tag) =	ssettag $0x2  }
0x197: {  	s0 =	rddreg [dreg:$0x0];
	s2 =	stileid.u32  }
0x198: {  	s1 =	rddreg [dreg:$0x1];
	p0 =	sne.s32 s2, $0x0  }
0x199: {  	s3 =	rddreg [dreg:$0x2];
	[bflag:$0x3] =	sbarrier.arrive $0xFFFF;
	s2 =	simm.s32 @!p0 $0x1C02  }
0x19a: {  	[timem:s3], [sflag:s2] =	dma.local @!p0 [hbm:s0], s1  }
0x19b: {  	s0 =	simm.s32 @!p0 $0x2  }
0x19c: {  	_ =	swait.ge @!p0 [sflag:s0], s1  }
0x19d: {  	s1 =	ssub.s32 @!p0 $0x0, s1;
	[sflag:s0] =	ssyncset.done @!p0 $0x0  }
0x19e: {  	[sflag:s0] =	ssyncadd.s32 @!p0 s1  }
0x19f: {  	[bflag:$0x3] =	sbarrier.arrive $0xFFFF  }
0x1a0: {  	_ =	shalt  }

</sc_bundles>
